<compile_context>
chip_gen: v7x
topology: tpu7x:2x2x1
jax: 0.10.2.dev20260603
libtpu: 0.0.44.dev20260713+nightly
codegen_flags: <defaults>
</compile_context>

<pallas_src>
import jax
import jax.numpy as jnp
from jax import lax
from jax.experimental import pallas as pl
from jax.experimental.pallas import tpu as pltpu
from jax.experimental.pallas import tpu_sc as plsc

D_MODEL = 64
NUM_CORES = 2
NUM_SUBCORES = 16
NUM_WORKERS = NUM_CORES * NUM_SUBCORES
CHUNK = 128
NBUF = 8


def _gather_body(ids_hbm, table_hbm, out_hbm, idx_all, rows_v, gsems, osems):
    wid = lax.axis_index("s") * NUM_CORES + lax.axis_index("c")
    b_per_w = idx_all.shape[0]
    nchunks = b_per_w // CHUNK
    base = wid * b_per_w

    pltpu.sync_copy(ids_hbm.at[pl.ds(pl.multiple_of(base, 8), b_per_w)], idx_all)

    def start_gather(b, g):
        idx = idx_all.at[pl.ds(g * CHUNK, CHUNK)]
        pltpu.async_copy(table_hbm.at[idx], rows_v.at[b], gsems.at[b])

    for b in range(NBUF):
        start_gather(b, b)

    @pl.loop(0, nchunks, step=NBUF)
    def _(g0):
        for b in range(NBUF):
            g = g0 + b
            idx = idx_all.at[pl.ds(g * CHUNK, CHUNK)]
            pltpu.make_async_copy(
                table_hbm.at[idx], rows_v.at[b], gsems.at[b]
            ).wait()
            off = pl.multiple_of(base + g * CHUNK, 8)
            out_slice = out_hbm.at[pl.ds(off, CHUNK)]
            pltpu.async_copy(rows_v.at[b], out_slice, osems.at[b])

            @pl.when(g + NBUF < nchunks)
            def _():
                pltpu.make_async_copy(rows_v.at[b], out_slice, osems.at[b]).wait()
                start_gather(b, g + NBUF)

    for b in range(NBUF):
        g = nchunks - NBUF + b
        off = pl.multiple_of(base + g * CHUNK, 8)
        pltpu.make_async_copy(
            rows_v.at[b], out_hbm.at[pl.ds(off, CHUNK)], osems.at[b]
        ).wait()


def kernel(token_ids, weight):
    n_tok, seq = token_ids.shape
    b_total = n_tok * seq
    b_per_w = b_total // NUM_WORKERS
    ids_flat = token_ids.reshape(b_total).astype(jnp.int32)

    mesh = plsc.VectorSubcoreMesh(core_axis_name="c", subcore_axis_name="s")
    out = pl.kernel(
        _gather_body,
        out_type=jax.ShapeDtypeStruct((b_total, D_MODEL), jnp.float32),
        mesh=mesh,
        scratch_types=[
            pltpu.VMEM((b_per_w,), jnp.int32),
            pltpu.VMEM((NBUF, CHUNK, D_MODEL), jnp.float32),
            pltpu.SemaphoreType.DMA((NBUF,)),
            pltpu.SemaphoreType.DMA((NBUF,)),
        ],
        compiler_params=pltpu.CompilerParams(use_tc_tiling_on_sc=False),
    )(ids_flat, weight)
    return out.reshape(n_tok, seq, D_MODEL)

# --- scband reference (transcript-rebuilt; emitter-appended) ---
"""Pipeline reference for scband-embedding-34522947125756 (READ-ONLY COPY).

The authoritative reference and input builder live on the scoring server;
editing this copy changes nothing except your own understanding.
"""

import jax, jax.numpy as jnp
import numpy as np

VOCAB_SIZE = 1000000
D_MODEL = 64

def trunc_normal(key, shape, mean=0.0, std=1.0, a=-3.0, b=3.0):
    x = jax.random.normal(key, shape, dtype=jnp.float32)
    x = x * std + mean
    return jnp.clip(x, a, b)

def setup_inputs(seed: int = 0) -> dict:
    key = jax.random.key(seed)
    k_idx, k_w = jax.random.split(key)
    token_ids = jax.random.randint(k_idx, (16384, 50), 0, VOCAB_SIZE, dtype=jnp.int64 if jax.config.jax_enable_x64 else jnp.int32)
    weight = trunc_normal(k_w, (VOCAB_SIZE, D_MODEL))
    return {"token_ids": token_ids, "weight": weight}

def reference(token_ids, weight):
    # Faithful to torch: self.weight[token_ids]
    return jnp.take(weight, token_ids, axis=0)

if __name__ == "__main__":
    import jax
    _d = setup_inputs()
    print(jax.jit(kernel)(*tuple(_d.values())))

</pallas_src>

<mosaic_0001>
#map = affine_map<(d0, d1) -> (0)>
#map1 = affine_map<(d0, d1) -> (0, 0)>
module attributes {stable_mosaic.version = 14 : i64} {
  func.func @_gather_body(%arg0: i32, %arg1: i32, %arg2: memref<819200xi32, #tpu.memory_space<hbm>>, %arg3: memref<1000000x64xf32, #tpu.memory_space<hbm>>, %arg4: memref<819200x64xf32, #tpu.memory_space<hbm>>, %arg5: memref<25600xi32, #tpu.memory_space<vmem>>, %arg6: memref<8x128x64xf32, #tpu.memory_space<vmem>>, %arg7: memref<8x!tpu.dma_semaphore, #tpu.memory_space<semaphore_mem>>, %arg8: memref<8x!tpu.dma_semaphore, #tpu.memory_space<semaphore_mem>>) attributes {dimension_semantics = [#tpu.dimension_semantics<core_parallel>, #tpu.dimension_semantics<subcore_parallel>], iteration_bounds = array<i64: 2, 16>, scalar_prefetch = 0 : i64, scratch_operands = 4 : i64, tpu.core_type = #tpu.core_type<sc_vector_subcore>, window_params = [{transform_indices = #map}, {transform_indices = #map1}, {transform_indices = #map1}]} {
    %mul3A = arith.constant 2 : i32
    %mul3A_0 = arith.muli %arg1, %mul3A : i32
    %add3A = arith.addi %mul3A_0, %arg0 : i32
    %mul3A_1 = arith.constant 25600 : i32
    %mul3A_2 = arith.muli %add3A, %mul3A_1 : i32
    %multiple_of3A = tpu.assume_multiple %mul3A_2, 8 : i32
    "tpu.region"() ({
      %run_scoped3A = tpu.sem_alloc : memref<!tpu.dma_semaphore, #tpu.memory_space<semaphore_mem>>
      %dma_start3A_261 = tpu.memref_slice %arg2[%multiple_of3A] : memref<819200xi32, #tpu.memory_space<hbm>> -> memref<25600xi32, #tpu.memory_space<hbm>>
      %dma_start3A_262 = tpu.memref_slice %arg2[%multiple_of3A] : memref<819200xi32, #tpu.memory_space<hbm>> -> memref<25600xi32, #tpu.memory_space<hbm>>
      tpu.enqueue_dma source(%dma_start3A_262 : memref<25600xi32, #tpu.memory_space<hbm>>) target(%arg5 : memref<25600xi32, #tpu.memory_space<vmem>>) target_semaphore(%run_scoped3A : memref<!tpu.dma_semaphore, #tpu.memory_space<semaphore_mem>>)
      %dma_wait3A_263 = tpu.memref_slice %arg2[%multiple_of3A] : memref<819200xi32, #tpu.memory_space<hbm>> -> memref<25600xi32, #tpu.memory_space<hbm>>
      %dma_wait3A_264 = tpu.memref_slice %arg2[%multiple_of3A] : memref<819200xi32, #tpu.memory_space<hbm>> -> memref<25600xi32, #tpu.memory_space<hbm>>
      tpu.wait_dma2 semaphore(%run_scoped3A : memref<!tpu.dma_semaphore, #tpu.memory_space<semaphore_mem>>) src(%dma_wait3A_264 : memref<25600xi32, #tpu.memory_space<hbm>>) dst(%arg5 : memref<25600xi32, #tpu.memory_space<vmem>>)
      tpu.yield
    }) : () -> ()
    %dma_start3A = arith.constant 0 : i32
    %dma_start3A_3 = arith.constant 0 : i32
    %dma_start3A_4 = arith.constant 0 : i32
    %dma_start3A_5 = arith.constant 0 : i32
    %dma_start3A_6 = tpu.memref_slice %arg6[%dma_start3A, %dma_start3A_4, %dma_start3A_5] : memref<8x128x64xf32, #tpu.memory_space<vmem>> -> memref<1x128x64xf32, #tpu.memory_space<vmem>>
    %dma_start3A_7 = tpu.memref_squeeze %dma_start3A_6 : memref<1x128x64xf32, #tpu.memory_space<vmem>> -> memref<128x64xf32, #tpu.memory_space<vmem>>
    %dma_start3A_8 = arith.constant 0 : i32
    %dma_start3A_9 = tpu.memref_slice %arg5[%dma_start3A_8] : memref<25600xi32, #tpu.memory_space<vmem>> -> memref<128xi32, #tpu.memory_space<vmem>>
    %dma_start3A_10 = arith.constant 0 : i32
    %dma_start3A_11 = arith.constant 0 : i32
    %dma_start3A_12 = tpu.memref_slice %arg3[%dma_start3A_10, %dma_start3A_11] : memref<1000000x64xf32, #tpu.memory_space<hbm>> -> memref<1000000x64xf32, #tpu.memory_space<hbm>>
    %dma_start3A_13 = tpu.memref_slice %arg7[%dma_start3A_3] : memref<8x!tpu.dma_semaphore, #tpu.memory_space<semaphore_mem>> -> memref<1x!tpu.dma_semaphore, #tpu.memory_space<semaphore_mem>>
    %dma_start3A_14 = tpu.memref_squeeze %dma_start3A_13 : memref<1x!tpu.dma_semaphore, #tpu.memory_space<semaphore_mem>> -> memref<!tpu.dma_semaphore, #tpu.memory_space<semaphore_mem>>
    tpu.enqueue_indirect_dma source(%dma_start3A_12 : memref<1000000x64xf32, #tpu.memory_space<hbm>>) target(%dma_start3A_7 : memref<128x64xf32, #tpu.memory_space<vmem>>) offsets(%dma_start3A_9 : memref<128xi32, #tpu.memory_space<vmem>>) semaphore(%dma_start3A_14 : memref<!tpu.dma_semaphore, #tpu.memory_space<semaphore_mem>>)
    %dma_start3A_15 = arith.constant 1 : i32
    %dma_start3A_16 = arith.constant 1 : i32
    %dma_start3A_17 = arith.constant 0 : i32
    %dma_start3A_18 = arith.constant 0 : i32
    %dma_start3A_19 = tpu.memref_slice %arg6[%dma_start3A_15, %dma_start3A_17, %dma_start3A_18] : memref<8x128x64xf32, #tpu.memory_space<vmem>> -> memref<1x128x64xf32, #tpu.memory_space<vmem>>
    %dma_start3A_20 = tpu.memref_squeeze %dma_start3A_19 : memref<1x128x64xf32, #tpu.memory_space<vmem>> -> memref<128x64xf32, #tpu.memory_space<vmem>>
    %dma_start3A_21 = arith.constant 128 : i32
    %dma_start3A_22 = tpu.memref_slice %arg5[%dma_start3A_21] : memref<25600xi32, #tpu.memory_space<vmem>> -> memref<128xi32, #tpu.memory_space<vmem>>
    %dma_start3A_23 = arith.constant 0 : i32
    %dma_start3A_24 = arith.constant 0 : i32
    %dma_start3A_25 = tpu.memref_slice %arg3[%dma_start3A_23, %dma_start3A_24] : memref<1000000x64xf32, #tpu.memory_space<hbm>> -> memref<1000000x64xf32, #tpu.memory_space<hbm>>
    %dma_start3A_26 = tpu.memref_slice %arg7[%dma_start3A_16] : memref<8x!tpu.dma_semaphore, #tpu.memory_space<semaphore_mem>> -> memref<1x!tpu.dma_semaphore, #tpu.memory_space<semaphore_mem>>
    %dma_start3A_27 = tpu.memref_squeeze %dma_start3A_26 : memref<1x!tpu.dma_semaphore, #tpu.memory_space<semaphore_mem>> -> memref<!tpu.dma_semaphore, #tpu.memory_space<semaphore_mem>>
    tpu.enqueue_indirect_dma source(%dma_start3A_25 : memref<1000000x64xf32, #tpu.memory_space<hbm>>) target(%dma_start3A_20 : memref<128x64xf32, #tpu.memory_space<vmem>>) offsets(%dma_start3A_22 : memref<128xi32, #tpu.memory_space<vmem>>) semaphore(%dma_start3A_27 : memref<!tpu.dma_semaphore, #tpu.memory_space<semaphore_mem>>)
    %dma_start3A_28 = arith.constant 2 : i32
    %dma_start3A_29 = arith.constant 2 : i32
    %dma_start3A_30 = arith.constant 0 : i32
    %dma_start3A_31 = arith.constant 0 : i32
    %dma_start3A_32 = tpu.memref_slice %arg6[%dma_start3A_28, %dma_start3A_30, %dma_start3A_31] : memref<8x128x64xf32, #tpu.memory_space<vmem>> -> memref<1x128x64xf32, #tpu.memory_space<vmem>>
    %dma_start3A_33 = tpu.memref_squeeze %dma_start3A_32 : memref<1x128x64xf32, #tpu.memory_space<vmem>> -> memref<128x64xf32, #tpu.memory_space<vmem>>
    %dma_start3A_34 = arith.constant 256 : i32
    %dma_start3A_35 = tpu.memref_slice %arg5[%dma_start3A_34] : memref<25600xi32, #tpu.memory_space<vmem>> -> memref<128xi32, #tpu.memory_space<vmem>>
    %dma_start3A_36 = arith.constant 0 : i32
    %dma_start3A_37 = arith.constant 0 : i32
    %dma_start3A_38 = tpu.memref_slice %arg3[%dma_start3A_36, %dma_start3A_37] : memref<1000000x64xf32, #tpu.memory_space<hbm>> -> memref<1000000x64xf32, #tpu.memory_space<hbm>>
    %dma_start3A_39 = tpu.memref_slice %arg7[%dma_start3A_29] : memref<8x!tpu.dma_semaphore, #tpu.memory_space<semaphore_mem>> -> memref<1x!tpu.dma_semaphore, #tpu.memory_space<semaphore_mem>>
    %dma_start3A_40 = tpu.memref_squeeze %dma_start3A_39 : memref<1x!tpu.dma_semaphore, #tpu.memory_space<semaphore_mem>> -> memref<!tpu.dma_semaphore, #tpu.memory_space<semaphore_mem>>
    tpu.enqueue_indirect_dma source(%dma_start3A_38 : memref<1000000x64xf32, #tpu.memory_space<hbm>>) target(%dma_start3A_33 : memref<128x64xf32, #tpu.memory_space<vmem>>) offsets(%dma_start3A_35 : memref<128xi32, #tpu.memory_space<vmem>>) semaphore(%dma_start3A_40 : memref<!tpu.dma_semaphore, #tpu.memory_space<semaphore_mem>>)
    %dma_start3A_41 = arith.constant 3 : i32
    %dma_start3A_42 = arith.constant 3 : i32
    %dma_start3A_43 = arith.constant 0 : i32
    %dma_start3A_44 = arith.constant 0 : i32
    %dma_start3A_45 = tpu.memref_slice %arg6[%dma_start3A_41, %dma_start3A_43, %dma_start3A_44] : memref<8x128x64xf32, #tpu.memory_space<vmem>> -> memref<1x128x64xf32, #tpu.memory_space<vmem>>
    %dma_start3A_46 = tpu.memref_squeeze %dma_start3A_45 : memref<1x128x64xf32, #tpu.memory_space<vmem>> -> memref<128x64xf32, #tpu.memory_space<vmem>>
    %dma_start3A_47 = arith.constant 384 : i32
    %dma_start3A_48 = tpu.memref_slice %arg5[%dma_start3A_47] : memref<25600xi32, #tpu.memory_space<vmem>> -> memref<128xi32, #tpu.memory_space<vmem>>
    %dma_start3A_49 = arith.constant 0 : i32
    %dma_start3A_50 = arith.constant 0 : i32
    %dma_start3A_51 = tpu.memref_slice %arg3[%dma_start3A_49, %dma_start3A_50] : memref<1000000x64xf32, #tpu.memory_space<hbm>> -> memref<1000000x64xf32, #tpu.memory_space<hbm>>
    %dma_start3A_52 = tpu.memref_slice %arg7[%dma_start3A_42] : memref<8x!tpu.dma_semaphore, #tpu.memory_space<semaphore_mem>> -> memref<1x!tpu.dma_semaphore, #tpu.memory_space<semaphore_mem>>
    %dma_start3A_53 = tpu.memref_squeeze %dma_start3A_52 : memref<1x!tpu.dma_semaphore, #tpu.memory_space<semaphore_mem>> -> memref<!tpu.dma_semaphore, #tpu.memory_space<semaphore_mem>>
    tpu.enqueue_indirect_dma source(%dma_start3A_51 : memref<1000000x64xf32, #tpu.memory_space<hbm>>) target(%dma_start3A_46 : memref<128x64xf32, #tpu.memory_space<vmem>>) offsets(%dma_start3A_48 : memref<128xi32, #tpu.memory_space<vmem>>) semaphore(%dma_start3A_53 : memref<!tpu.dma_semaphore, #tpu.memory_space<semaphore_mem>>)
    %dma_start3A_54 = arith.constant 4 : i32
    %dma_start3A_55 = arith.constant 4 : i32
    %dma_start3A_56 = arith.constant 0 : i32
    %dma_start3A_57 = arith.constant 0 : i32
    %dma_start3A_58 = tpu.memref_slice %arg6[%dma_start3A_54, %dma_start3A_56, %dma_start3A_57] : memref<8x128x64xf32, #tpu.memory_space<vmem>> -> memref<1x128x64xf32, #tpu.memory_space<vmem>>
    %dma_start3A_59 = tpu.memref_squeeze %dma_start3A_58 : memref<1x128x64xf32, #tpu.memory_space<vmem>> -> memref<128x64xf32, #tpu.memory_space<vmem>>
    %dma_start3A_60 = arith.constant 512 : i32
    %dma_start3A_61 = tpu.memref_slice %arg5[%dma_start3A_60] : memref<25600xi32, #tpu.memory_space<vmem>> -> memref<128xi32, #tpu.memory_space<vmem>>
    %dma_start3A_62 = arith.constant 0 : i32
    %dma_start3A_63 = arith.constant 0 : i32
    %dma_start3A_64 = tpu.memref_slice %arg3[%dma_start3A_62, %dma_start3A_63] : memref<1000000x64xf32, #tpu.memory_space<hbm>> -> memref<1000000x64xf32, #tpu.memory_space<hbm>>
    %dma_start3A_65 = tpu.memref_slice %arg7[%dma_start3A_55] : memref<8x!tpu.dma_semaphore, #tpu.memory_space<semaphore_mem>> -> memref<1x!tpu.dma_semaphore, #tpu.memory_space<semaphore_mem>>
    %dma_start3A_66 = tpu.memref_squeeze %dma_start3A_65 : memref<1x!tpu.dma_semaphore, #tpu.memory_space<semaphore_mem>> -> memref<!tpu.dma_semaphore, #tpu.memory_space<semaphore_mem>>
    tpu.enqueue_indirect_dma source(%dma_start3A_64 : memref<1000000x64xf32, #tpu.memory_space<hbm>>) target(%dma_start3A_59 : memref<128x64xf32, #tpu.memory_space<vmem>>) offsets(%dma_start3A_61 : memref<128xi32, #tpu.memory_space<vmem>>) semaphore(%dma_start3A_66 : memref<!tpu.dma_semaphore, #tpu.memory_space<semaphore_mem>>)
    %dma_start3A_67 = arith.constant 5 : i32
    %dma_start3A_68 = arith.constant 5 : i32
    %dma_start3A_69 = arith.constant 0 : i32
    %dma_start3A_70 = arith.constant 0 : i32
    %dma_start3A_71 = tpu.memref_slice %arg6[%dma_start3A_67, %dma_start3A_69, %dma_start3A_70] : memref<8x128x64xf32, #tpu.memory_space<vmem>> -> memref<1x128x64xf32, #tpu.memory_space<vmem>>
    %dma_start3A_72 = tpu.memref_squeeze %dma_start3A_71 : memref<1x128x64xf32, #tpu.memory_space<vmem>> -> memref<128x64xf32, #tpu.memory_space<vmem>>
    %dma_start3A_73 = arith.constant 640 : i32
    %dma_start3A_74 = tpu.memref_slice %arg5[%dma_start3A_73] : memref<25600xi32, #tpu.memory_space<vmem>> -> memref<128xi32, #tpu.memory_space<vmem>>
    %dma_start3A_75 = arith.constant 0 : i32
    %dma_start3A_76 = arith.constant 0 : i32
    %dma_start3A_77 = tpu.memref_slice %arg3[%dma_start3A_75, %dma_start3A_76] : memref<1000000x64xf32, #tpu.memory_space<hbm>> -> memref<1000000x64xf32, #tpu.memory_space<hbm>>
    %dma_start3A_78 = tpu.memref_slice %arg7[%dma_start3A_68] : memref<8x!tpu.dma_semaphore, #tpu.memory_space<semaphore_mem>> -> memref<1x!tpu.dma_semaphore, #tpu.memory_space<semaphore_mem>>
    %dma_start3A_79 = tpu.memref_squeeze %dma_start3A_78 : memref<1x!tpu.dma_semaphore, #tpu.memory_space<semaphore_mem>> -> memref<!tpu.dma_semaphore, #tpu.memory_space<semaphore_mem>>
    tpu.enqueue_indirect_dma source(%dma_start3A_77 : memref<1000000x64xf32, #tpu.memory_space<hbm>>) target(%dma_start3A_72 : memref<128x64xf32, #tpu.memory_space<vmem>>) offsets(%dma_start3A_74 : memref<128xi32, #tpu.memory_space<vmem>>) semaphore(%dma_start3A_79 : memref<!tpu.dma_semaphore, #tpu.memory_space<semaphore_mem>>)
    %dma_start3A_80 = arith.constant 6 : i32
    %dma_start3A_81 = arith.constant 6 : i32
    %dma_start3A_82 = arith.constant 0 : i32
    %dma_start3A_83 = arith.constant 0 : i32
    %dma_start3A_84 = tpu.memref_slice %arg6[%dma_start3A_80, %dma_start3A_82, %dma_start3A_83] : memref<8x128x64xf32, #tpu.memory_space<vmem>> -> memref<1x128x64xf32, #tpu.memory_space<vmem>>
    %dma_start3A_85 = tpu.memref_squeeze %dma_start3A_84 : memref<1x128x64xf32, #tpu.memory_space<vmem>> -> memref<128x64xf32, #tpu.memory_space<vmem>>
    %dma_start3A_86 = arith.constant 768 : i32
    %dma_start3A_87 = tpu.memref_slice %arg5[%dma_start3A_86] : memref<25600xi32, #tpu.memory_space<vmem>> -> memref<128xi32, #tpu.memory_space<vmem>>
    %dma_start3A_88 = arith.constant 0 : i32
    %dma_start3A_89 = arith.constant 0 : i32
    %dma_start3A_90 = tpu.memref_slice %arg3[%dma_start3A_88, %dma_start3A_89] : memref<1000000x64xf32, #tpu.memory_space<hbm>> -> memref<1000000x64xf32, #tpu.memory_space<hbm>>
    %dma_start3A_91 = tpu.memref_slice %arg7[%dma_start3A_81] : memref<8x!tpu.dma_semaphore, #tpu.memory_space<semaphore_mem>> -> memref<1x!tpu.dma_semaphore, #tpu.memory_space<semaphore_mem>>
    %dma_start3A_92 = tpu.memref_squeeze %dma_start3A_91 : memref<1x!tpu.dma_semaphore, #tpu.memory_space<semaphore_mem>> -> memref<!tpu.dma_semaphore, #tpu.memory_space<semaphore_mem>>
    tpu.enqueue_indirect_dma source(%dma_start3A_90 : memref<1000000x64xf32, #tpu.memory_space<hbm>>) target(%dma_start3A_85 : memref<128x64xf32, #tpu.memory_space<vmem>>) offsets(%dma_start3A_87 : memref<128xi32, #tpu.memory_space<vmem>>) semaphore(%dma_start3A_92 : memref<!tpu.dma_semaphore, #tpu.memory_space<semaphore_mem>>)
    %dma_start3A_93 = arith.constant 7 : i32
    %dma_start3A_94 = arith.constant 7 : i32
    %dma_start3A_95 = arith.constant 0 : i32
    %dma_start3A_96 = arith.constant 0 : i32
    %dma_start3A_97 = tpu.memref_slice %arg6[%dma_start3A_93, %dma_start3A_95, %dma_start3A_96] : memref<8x128x64xf32, #tpu.memory_space<vmem>> -> memref<1x128x64xf32, #tpu.memory_space<vmem>>
    %dma_start3A_98 = tpu.memref_squeeze %dma_start3A_97 : memref<1x128x64xf32, #tpu.memory_space<vmem>> -> memref<128x64xf32, #tpu.memory_space<vmem>>
    %dma_start3A_99 = arith.constant 896 : i32
    %dma_start3A_100 = tpu.memref_slice %arg5[%dma_start3A_99] : memref<25600xi32, #tpu.memory_space<vmem>> -> memref<128xi32, #tpu.memory_space<vmem>>
    %dma_start3A_101 = arith.constant 0 : i32
    %dma_start3A_102 = arith.constant 0 : i32
    %dma_start3A_103 = tpu.memref_slice %arg3[%dma_start3A_101, %dma_start3A_102] : memref<1000000x64xf32, #tpu.memory_space<hbm>> -> memref<1000000x64xf32, #tpu.memory_space<hbm>>
    %dma_start3A_104 = tpu.memref_slice %arg7[%dma_start3A_94] : memref<8x!tpu.dma_semaphore, #tpu.memory_space<semaphore_mem>> -> memref<1x!tpu.dma_semaphore, #tpu.memory_space<semaphore_mem>>
    %dma_start3A_105 = tpu.memref_squeeze %dma_start3A_104 : memref<1x!tpu.dma_semaphore, #tpu.memory_space<semaphore_mem>> -> memref<!tpu.dma_semaphore, #tpu.memory_space<semaphore_mem>>
    tpu.enqueue_indirect_dma source(%dma_start3A_103 : memref<1000000x64xf32, #tpu.memory_space<hbm>>) target(%dma_start3A_98 : memref<128x64xf32, #tpu.memory_space<vmem>>) offsets(%dma_start3A_100 : memref<128xi32, #tpu.memory_space<vmem>>) semaphore(%dma_start3A_105 : memref<!tpu.dma_semaphore, #tpu.memory_space<semaphore_mem>>)
    %scan3A = arith.constant 0 : i32
    %scan3A_106 = arith.constant 25 : i32
    %scan3A_107 = arith.addi %scan3A, %scan3A_106 : i32
    %scan3A_108 = arith.constant 1 : i32
    scf.for %scan3A_261 = %scan3A to %scan3A_107 step %scan3A_108  : i32 {
      %mul3A_262 = arith.constant 8 : i32
      %mul3A_263 = arith.muli %scan3A_261, %mul3A_262 : i32
      %add3A_264 = arith.constant 0 : i32
      %add3A_265 = arith.addi %add3A_264, %mul3A_263 : i32
      %add3A_266 = arith.constant 0 : i32
      %add3A_267 = arith.addi %add3A_265, %add3A_266 : i32
      %mul3A_268 = arith.constant 128 : i32
      %mul3A_269 = arith.muli %add3A_267, %mul3A_268 : i32
      %dma_wait3A_270 = arith.constant 0 : i32
      %dma_wait3A_271 = arith.constant 0 : i32
      %dma_wait3A_272 = arith.constant 0 : i32
      %dma_wait3A_273 = arith.constant 0 : i32
      %dma_wait3A_274 = tpu.memref_slice %arg6[%dma_wait3A_270, %dma_wait3A_272, %dma_wait3A_273] : memref<8x128x64xf32, #tpu.memory_space<vmem>> -> memref<1x128x64xf32, #tpu.memory_space<vmem>>
      %dma_wait3A_275 = tpu.memref_squeeze %dma_wait3A_274 : memref<1x128x64xf32, #tpu.memory_space<vmem>> -> memref<128x64xf32, #tpu.memory_space<vmem>>
      %dma_wait3A_276 = tpu.memref_slice %arg5[%mul3A_269] : memref<25600xi32, #tpu.memory_space<vmem>> -> memref<128xi32, #tpu.memory_space<vmem>>
      %dma_wait3A_277 = arith.constant 0 : i32
      %dma_wait3A_278 = arith.constant 0 : i32
      %dma_wait3A_279 = tpu.memref_slice %arg3[%dma_wait3A_277, %dma_wait3A_278] : memref<1000000x64xf32, #tpu.memory_space<hbm>> -> memref<1000000x64xf32, #tpu.memory_space<hbm>>
      %dma_wait3A_280 = tpu.memref_slice %arg7[%dma_wait3A_271] : memref<8x!tpu.dma_semaphore, #tpu.memory_space<semaphore_mem>> -> memref<1x!tpu.dma_semaphore, #tpu.memory_space<semaphore_mem>>
      %dma_wait3A_281 = tpu.memref_squeeze %dma_wait3A_280 : memref<1x!tpu.dma_semaphore, #tpu.memory_space<semaphore_mem>> -> memref<!tpu.dma_semaphore, #tpu.memory_space<semaphore_mem>>
      tpu.wait_indirect_dma semaphore(%dma_wait3A_281 : memref<!tpu.dma_semaphore, #tpu.memory_space<semaphore_mem>>) src(%dma_wait3A_279 : memref<1000000x64xf32, #tpu.memory_space<hbm>>) dst(%dma_wait3A_275 : memref<128x64xf32, #tpu.memory_space<vmem>>)
      %mul3A_282 = arith.constant 128 : i32
      %mul3A_283 = arith.muli %add3A_267, %mul3A_282 : i32
      %add3A_284 = arith.addi %mul3A_2, %mul3A_283 : i32
      %multiple_of3A_285 = tpu.assume_multiple %add3A_284, 8 : i32
      %dma_start3A_286 = arith.constant 0 : i32
      %dma_start3A_287 = arith.constant 0 : i32
      %dma_start3A_288 = arith.constant 0 : i32
      %dma_start3A_289 = arith.constant 0 : i32
      %dma_start3A_290 = tpu.memref_slice %arg6[%dma_start3A_286, %dma_start3A_288, %dma_start3A_289] : memref<8x128x64xf32, #tpu.memory_space<vmem>> -> memref<1x128x64xf32, #tpu.memory_space<vmem>>
      %dma_start3A_291 = tpu.memref_squeeze %dma_start3A_290 : memref<1x128x64xf32, #tpu.memory_space<vmem>> -> memref<128x64xf32, #tpu.memory_space<vmem>>
      %dma_start3A_292 = arith.constant 0 : i32
      %dma_start3A_293 = tpu.memref_slice %arg4[%multiple_of3A_285, %dma_start3A_292] : memref<819200x64xf32, #tpu.memory_space<hbm>> -> memref<128x64xf32, #tpu.memory_space<hbm>>
      %dma_start3A_294 = tpu.memref_slice %arg8[%dma_start3A_287] : memref<8x!tpu.dma_semaphore, #tpu.memory_space<semaphore_mem>> -> memref<1x!tpu.dma_semaphore, #tpu.memory_space<semaphore_mem>>
      %dma_start3A_295 = tpu.memref_squeeze %dma_start3A_294 : memref<1x!tpu.dma_semaphore, #tpu.memory_space<semaphore_mem>> -> memref<!tpu.dma_semaphore, #tpu.memory_space<semaphore_mem>>
      %dma_start3A_296 = arith.constant 0 : i32
      %dma_start3A_297 = tpu.memref_slice %arg4[%multiple_of3A_285, %dma_start3A_296] : memref<819200x64xf32, #tpu.memory_space<hbm>> -> memref<128x64xf32, #tpu.memory_space<hbm>>
      %dma_start3A_298 = arith.constant 0 : i32
      %dma_start3A_299 = arith.constant 0 : i32
      %dma_start3A_300 = tpu.memref_slice %arg6[%dma_start3A_286, %dma_start3A_298, %dma_start3A_299] : memref<8x128x64xf32, #tpu.memory_space<vmem>> -> memref<1x128x64xf32, #tpu.memory_space<vmem>>
      %dma_start3A_301 = tpu.memref_squeeze %dma_start3A_300 : memref<1x128x64xf32, #tpu.memory_space<vmem>> -> memref<128x64xf32, #tpu.memory_space<vmem>>
      tpu.enqueue_dma source(%dma_start3A_301 : memref<128x64xf32, #tpu.memory_space<vmem>>) target(%dma_start3A_297 : memref<128x64xf32, #tpu.memory_space<hbm>>) target_semaphore(%dma_start3A_295 : memref<!tpu.dma_semaphore, #tpu.memory_space<semaphore_mem>>)
      %add3A_302 = arith.constant 8 : i32
      %add3A_303 = arith.addi %add3A_267, %add3A_302 : i32
      %lt3A = arith.constant 200 : i32
      %lt3A_304 = arith.cmpi slt, %add3A_303, %lt3A : i32
      %convert_element_type3A = arith.extui %lt3A_304 : i1 to i32
      %cond3A = arith.constant 0 : i32
      %cond3A_305 = arith.cmpi ne, %convert_element_type3A, %cond3A : i32
      scf.if %cond3A_305 {
        %dma_wait3A_607 = arith.constant 0 : i32
        %dma_wait3A_608 = arith.constant 0 : i32
        %dma_wait3A_609 = arith.constant 0 : i32
        %dma_wait3A_610 = arith.constant 0 : i32
        %dma_wait3A_611 = tpu.memref_slice %arg6[%dma_wait3A_607, %dma_wait3A_609, %dma_wait3A_610] : memref<8x128x64xf32, #tpu.memory_space<vmem>> -> memref<1x128x64xf32, #tpu.memory_space<vmem>>
        %dma_wait3A_612 = tpu.memref_squeeze %dma_wait3A_611 : memref<1x128x64xf32, #tpu.memory_space<vmem>> -> memref<128x64xf32, #tpu.memory_space<vmem>>
        %dma_wait3A_613 = arith.constant 0 : i32
        %dma_wait3A_614 = tpu.memref_slice %arg4[%multiple_of3A_285, %dma_wait3A_613] : memref<819200x64xf32, #tpu.memory_space<hbm>> -> memref<128x64xf32, #tpu.memory_space<hbm>>
        %dma_wait3A_615 = tpu.memref_slice %arg8[%dma_wait3A_608] : memref<8x!tpu.dma_semaphore, #tpu.memory_space<semaphore_mem>> -> memref<1x!tpu.dma_semaphore, #tpu.memory_space<semaphore_mem>>
        %dma_wait3A_616 = tpu.memref_squeeze %dma_wait3A_615 : memref<1x!tpu.dma_semaphore, #tpu.memory_space<semaphore_mem>> -> memref<!tpu.dma_semaphore, #tpu.memory_space<semaphore_mem>>
        %dma_wait3A_617 = arith.constant 0 : i32
        %dma_wait3A_618 = tpu.memref_slice %arg4[%multiple_of3A_285, %dma_wait3A_617] : memref<819200x64xf32, #tpu.memory_space<hbm>> -> memref<128x64xf32, #tpu.memory_space<hbm>>
        %dma_wait3A_619 = arith.constant 0 : i32
        %dma_wait3A_620 = arith.constant 0 : i32
        %dma_wait3A_621 = tpu.memref_slice %arg6[%dma_wait3A_607, %dma_wait3A_619, %dma_wait3A_620] : memref<8x128x64xf32, #tpu.memory_space<vmem>> -> memref<1x128x64xf32, #tpu.memory_space<vmem>>
        %dma_wait3A_622 = tpu.memref_squeeze %dma_wait3A_621 : memref<1x128x64xf32, #tpu.memory_space<vmem>> -> memref<128x64xf32, #tpu.memory_space<vmem>>
        tpu.wait_dma2 semaphore(%dma_wait3A_616 : memref<!tpu.dma_semaphore, #tpu.memory_space<semaphore_mem>>) src(%dma_wait3A_622 : memref<128x64xf32, #tpu.memory_space<vmem>>) dst(%dma_wait3A_618 : memref<128x64xf32, #tpu.memory_space<hbm>>)
        %add3A_623 = arith.constant 8 : i32
        %add3A_624 = arith.addi %add3A_267, %add3A_623 : i32
        %mul3A_625 = arith.constant 128 : i32
        %mul3A_626 = arith.muli %add3A_624, %mul3A_625 : i32
        %dma_start3A_627 = arith.constant 0 : i32
        %dma_start3A_628 = arith.constant 0 : i32
        %dma_start3A_629 = arith.constant 0 : i32
        %dma_start3A_630 = arith.constant 0 : i32
        %dma_start3A_631 = tpu.memref_slice %arg6[%dma_start3A_627, %dma_start3A_629, %dma_start3A_630] : memref<8x128x64xf32, #tpu.memory_space<vmem>> -> memref<1x128x64xf32, #tpu.memory_space<vmem>>
        %dma_start3A_632 = tpu.memref_squeeze %dma_start3A_631 : memref<1x128x64xf32, #tpu.memory_space<vmem>> -> memref<128x64xf32, #tpu.memory_space<vmem>>
        %dma_start3A_633 = tpu.memref_slice %arg5[%mul3A_626] : memref<25600xi32, #tpu.memory_space<vmem>> -> memref<128xi32, #tpu.memory_space<vmem>>
        %dma_start3A_634 = arith.constant 0 : i32
        %dma_start3A_635 = arith.constant 0 : i32
        %dma_start3A_636 = tpu.memref_slice %arg3[%dma_start3A_634, %dma_start3A_635] : memref<1000000x64xf32, #tpu.memory_space<hbm>> -> memref<1000000x64xf32, #tpu.memory_space<hbm>>
        %dma_start3A_637 = tpu.memref_slice %arg7[%dma_start3A_628] : memref<8x!tpu.dma_semaphore, #tpu.memory_space<semaphore_mem>> -> memref<1x!tpu.dma_semaphore, #tpu.memory_space<semaphore_mem>>
        %dma_start3A_638 = tpu.memref_squeeze %dma_start3A_637 : memref<1x!tpu.dma_semaphore, #tpu.memory_space<semaphore_mem>> -> memref<!tpu.dma_semaphore, #tpu.memory_space<semaphore_mem>>
        tpu.enqueue_indirect_dma source(%dma_start3A_636 : memref<1000000x64xf32, #tpu.memory_space<hbm>>) target(%dma_start3A_632 : memref<128x64xf32, #tpu.memory_space<vmem>>) offsets(%dma_start3A_633 : memref<128xi32, #tpu.memory_space<vmem>>) semaphore(%dma_start3A_638 : memref<!tpu.dma_semaphore, #tpu.memory_space<semaphore_mem>>)
      } else {
      }
      %add3A_306 = arith.constant 1 : i32
      %add3A_307 = arith.addi %add3A_265, %add3A_306 : i32
      %mul3A_308 = arith.constant 128 : i32
      %mul3A_309 = arith.muli %add3A_307, %mul3A_308 : i32
      %dma_wait3A_310 = arith.constant 1 : i32
      %dma_wait3A_311 = arith.constant 1 : i32
      %dma_wait3A_312 = arith.constant 0 : i32
      %dma_wait3A_313 = arith.constant 0 : i32
      %dma_wait3A_314 = tpu.memref_slice %arg6[%dma_wait3A_310, %dma_wait3A_312, %dma_wait3A_313] : memref<8x128x64xf32, #tpu.memory_space<vmem>> -> memref<1x128x64xf32, #tpu.memory_space<vmem>>
      %dma_wait3A_315 = tpu.memref_squeeze %dma_wait3A_314 : memref<1x128x64xf32, #tpu.memory_space<vmem>> -> memref<128x64xf32, #tpu.memory_space<vmem>>
      %dma_wait3A_316 = tpu.memref_slice %arg5[%mul3A_309] : memref<25600xi32, #tpu.memory_space<vmem>> -> memref<128xi32, #tpu.memory_space<vmem>>
      %dma_wait3A_317 = arith.constant 0 : i32
      %dma_wait3A_318 = arith.constant 0 : i32
      %dma_wait3A_319 = tpu.memref_slice %arg3[%dma_wait3A_317, %dma_wait3A_318] : memref<1000000x64xf32, #tpu.memory_space<hbm>> -> memref<1000000x64xf32, #tpu.memory_space<hbm>>
      %dma_wait3A_320 = tpu.memref_slice %arg7[%dma_wait3A_311] : memref<8x!tpu.dma_semaphore, #tpu.memory_space<semaphore_mem>> -> memref<1x!tpu.dma_semaphore, #tpu.memory_space<semaphore_mem>>
      %dma_wait3A_321 = tpu.memref_squeeze %dma_wait3A_320 : memref<1x!tpu.dma_semaphore, #tpu.memory_space<semaphore_mem>> -> memref<!tpu.dma_semaphore, #tpu.memory_space<semaphore_mem>>
      tpu.wait_indirect_dma semaphore(%dma_wait3A_321 : memref<!tpu.dma_semaphore, #tpu.memory_space<semaphore_mem>>) src(%dma_wait3A_319 : memref<1000000x64xf32, #tpu.memory_space<hbm>>) dst(%dma_wait3A_315 : memref<128x64xf32, #tpu.memory_space<vmem>>)
      %mul3A_322 = arith.constant 128 : i32
      %mul3A_323 = arith.muli %add3A_307, %mul3A_322 : i32
      %add3A_324 = arith.addi %mul3A_2, %mul3A_323 : i32
      %multiple_of3A_325 = tpu.assume_multiple %add3A_324, 8 : i32
      %dma_start3A_326 = arith.constant 1 : i32
      %dma_start3A_327 = arith.constant 1 : i32
      %dma_start3A_328 = arith.constant 0 : i32
      %dma_start3A_329 = arith.constant 0 : i32
      %dma_start3A_330 = tpu.memref_slice %arg6[%dma_start3A_326, %dma_start3A_328, %dma_start3A_329] : memref<8x128x64xf32, #tpu.memory_space<vmem>> -> memref<1x128x64xf32, #tpu.memory_space<vmem>>
      %dma_start3A_331 = tpu.memref_squeeze %dma_start3A_330 : memref<1x128x64xf32, #tpu.memory_space<vmem>> -> memref<128x64xf32, #tpu.memory_space<vmem>>
      %dma_start3A_332 = arith.constant 0 : i32
      %dma_start3A_333 = tpu.memref_slice %arg4[%multiple_of3A_325, %dma_start3A_332] : memref<819200x64xf32, #tpu.memory_space<hbm>> -> memref<128x64xf32, #tpu.memory_space<hbm>>
      %dma_start3A_334 = tpu.memref_slice %arg8[%dma_start3A_327] : memref<8x!tpu.dma_semaphore, #tpu.memory_space<semaphore_mem>> -> memref<1x!tpu.dma_semaphore, #tpu.memory_space<semaphore_mem>>
      %dma_start3A_335 = tpu.memref_squeeze %dma_start3A_334 : memref<1x!tpu.dma_semaphore, #tpu.memory_space<semaphore_mem>> -> memref<!tpu.dma_semaphore, #tpu.memory_space<semaphore_mem>>
      %dma_start3A_336 = arith.constant 0 : i32
      %dma_start3A_337 = tpu.memref_slice %arg4[%multiple_of3A_325, %dma_start3A_336] : memref<819200x64xf32, #tpu.memory_space<hbm>> -> memref<128x64xf32, #tpu.memory_space<hbm>>
      %dma_start3A_338 = arith.constant 0 : i32
      %dma_start3A_339 = arith.constant 0 : i32
      %dma_start3A_340 = tpu.memref_slice %arg6[%dma_start3A_326, %dma_start3A_338, %dma_start3A_339] : memref<8x128x64xf32, #tpu.memory_space<vmem>> -> memref<1x128x64xf32, #tpu.memory_space<vmem>>
      %dma_start3A_341 = tpu.memref_squeeze %dma_start3A_340 : memref<1x128x64xf32, #tpu.memory_space<vmem>> -> memref<128x64xf32, #tpu.memory_space<vmem>>
      tpu.enqueue_dma source(%dma_start3A_341 : memref<128x64xf32, #tpu.memory_space<vmem>>) target(%dma_start3A_337 : memref<128x64xf32, #tpu.memory_space<hbm>>) target_semaphore(%dma_start3A_335 : memref<!tpu.dma_semaphore, #tpu.memory_space<semaphore_mem>>)
      %add3A_342 = arith.constant 8 : i32
      %add3A_343 = arith.addi %add3A_307, %add3A_342 : i32
      %lt3A_344 = arith.constant 200 : i32
      %lt3A_345 = arith.cmpi slt, %add3A_343, %lt3A_344 : i32
      %convert_element_type3A_346 = arith.extui %lt3A_345 : i1 to i32
      %cond3A_347 = arith.constant 0 : i32
      %cond3A_348 = arith.cmpi ne, %convert_element_type3A_346, %cond3A_347 : i32
      scf.if %cond3A_348 {
        %dma_wait3A_607 = arith.constant 1 : i32
        %dma_wait3A_608 = arith.constant 1 : i32
        %dma_wait3A_609 = arith.constant 0 : i32
        %dma_wait3A_610 = arith.constant 0 : i32
        %dma_wait3A_611 = tpu.memref_slice %arg6[%dma_wait3A_607, %dma_wait3A_609, %dma_wait3A_610] : memref<8x128x64xf32, #tpu.memory_space<vmem>> -> memref<1x128x64xf32, #tpu.memory_space<vmem>>
        %dma_wait3A_612 = tpu.memref_squeeze %dma_wait3A_611 : memref<1x128x64xf32, #tpu.memory_space<vmem>> -> memref<128x64xf32, #tpu.memory_space<vmem>>
        %dma_wait3A_613 = arith.constant 0 : i32
        %dma_wait3A_614 = tpu.memref_slice %arg4[%multiple_of3A_325, %dma_wait3A_613] : memref<819200x64xf32, #tpu.memory_space<hbm>> -> memref<128x64xf32, #tpu.memory_space<hbm>>
        %dma_wait3A_615 = tpu.memref_slice %arg8[%dma_wait3A_608] : memref<8x!tpu.dma_semaphore, #tpu.memory_space<semaphore_mem>> -> memref<1x!tpu.dma_semaphore, #tpu.memory_space<semaphore_mem>>
        %dma_wait3A_616 = tpu.memref_squeeze %dma_wait3A_615 : memref<1x!tpu.dma_semaphore, #tpu.memory_space<semaphore_mem>> -> memref<!tpu.dma_semaphore, #tpu.memory_space<semaphore_mem>>
        %dma_wait3A_617 = arith.constant 0 : i32
        %dma_wait3A_618 = tpu.memref_slice %arg4[%multiple_of3A_325, %dma_wait3A_617] : memref<819200x64xf32, #tpu.memory_space<hbm>> -> memref<128x64xf32, #tpu.memory_space<hbm>>
        %dma_wait3A_619 = arith.constant 0 : i32
        %dma_wait3A_620 = arith.constant 0 : i32
        %dma_wait3A_621 = tpu.memref_slice %arg6[%dma_wait3A_607, %dma_wait3A_619, %dma_wait3A_620] : memref<8x128x64xf32, #tpu.memory_space<vmem>> -> memref<1x128x64xf32, #tpu.memory_space<vmem>>
        %dma_wait3A_622 = tpu.memref_squeeze %dma_wait3A_621 : memref<1x128x64xf32, #tpu.memory_space<vmem>> -> memref<128x64xf32, #tpu.memory_space<vmem>>
        tpu.wait_dma2 semaphore(%dma_wait3A_616 : memref<!tpu.dma_semaphore, #tpu.memory_space<semaphore_mem>>) src(%dma_wait3A_622 : memref<128x64xf32, #tpu.memory_space<vmem>>) dst(%dma_wait3A_618 : memref<128x64xf32, #tpu.memory_space<hbm>>)
        %add3A_623 = arith.constant 8 : i32
        %add3A_624 = arith.addi %add3A_307, %add3A_623 : i32
        %mul3A_625 = arith.constant 128 : i32
        %mul3A_626 = arith.muli %add3A_624, %mul3A_625 : i32
        %dma_start3A_627 = arith.constant 1 : i32
        %dma_start3A_628 = arith.constant 1 : i32
        %dma_start3A_629 = arith.constant 0 : i32
        %dma_start3A_630 = arith.constant 0 : i32
        %dma_start3A_631 = tpu.memref_slice %arg6[%dma_start3A_627, %dma_start3A_629, %dma_start3A_630] : memref<8x128x64xf32, #tpu.memory_space<vmem>> -> memref<1x128x64xf32, #tpu.memory_space<vmem>>
        %dma_start3A_632 = tpu.memref_squeeze %dma_start3A_631 : memref<1x128x64xf32, #tpu.memory_space<vmem>> -> memref<128x64xf32, #tpu.memory_space<vmem>>
        %dma_start3A_633 = tpu.memref_slice %arg5[%mul3A_626] : memref<25600xi32, #tpu.memory_space<vmem>> -> memref<128xi32, #tpu.memory_space<vmem>>
        %dma_start3A_634 = arith.constant 0 : i32
        %dma_start3A_635 = arith.constant 0 : i32
        %dma_start3A_636 = tpu.memref_slice %arg3[%dma_start3A_634, %dma_start3A_635] : memref<1000000x64xf32, #tpu.memory_space<hbm>> -> memref<1000000x64xf32, #tpu.memory_space<hbm>>
        %dma_start3A_637 = tpu.memref_slice %arg7[%dma_start3A_628] : memref<8x!tpu.dma_semaphore, #tpu.memory_space<semaphore_mem>> -> memref<1x!tpu.dma_semaphore, #tpu.memory_space<semaphore_mem>>
        %dma_start3A_638 = tpu.memref_squeeze %dma_start3A_637 : memref<1x!tpu.dma_semaphore, #tpu.memory_space<semaphore_mem>> -> memref<!tpu.dma_semaphore, #tpu.memory_space<semaphore_mem>>
        tpu.enqueue_indirect_dma source(%dma_start3A_636 : memref<1000000x64xf32, #tpu.memory_space<hbm>>) target(%dma_start3A_632 : memref<128x64xf32, #tpu.memory_space<vmem>>) offsets(%dma_start3A_633 : memref<128xi32, #tpu.memory_space<vmem>>) semaphore(%dma_start3A_638 : memref<!tpu.dma_semaphore, #tpu.memory_space<semaphore_mem>>)
      } else {
      }
      %add3A_349 = arith.constant 2 : i32
      %add3A_350 = arith.addi %add3A_265, %add3A_349 : i32
      %mul3A_351 = arith.constant 128 : i32
      %mul3A_352 = arith.muli %add3A_350, %mul3A_351 : i32
      %dma_wait3A_353 = arith.constant 2 : i32
      %dma_wait3A_354 = arith.constant 2 : i32
      %dma_wait3A_355 = arith.constant 0 : i32
      %dma_wait3A_356 = arith.constant 0 : i32
      %dma_wait3A_357 = tpu.memref_slice %arg6[%dma_wait3A_353, %dma_wait3A_355, %dma_wait3A_356] : memref<8x128x64xf32, #tpu.memory_space<vmem>> -> memref<1x128x64xf32, #tpu.memory_space<vmem>>
      %dma_wait3A_358 = tpu.memref_squeeze %dma_wait3A_357 : memref<1x128x64xf32, #tpu.memory_space<vmem>> -> memref<128x64xf32, #tpu.memory_space<vmem>>
      %dma_wait3A_359 = tpu.memref_slice %arg5[%mul3A_352] : memref<25600xi32, #tpu.memory_space<vmem>> -> memref<128xi32, #tpu.memory_space<vmem>>
      %dma_wait3A_360 = arith.constant 0 : i32
      %dma_wait3A_361 = arith.constant 0 : i32
      %dma_wait3A_362 = tpu.memref_slice %arg3[%dma_wait3A_360, %dma_wait3A_361] : memref<1000000x64xf32, #tpu.memory_space<hbm>> -> memref<1000000x64xf32, #tpu.memory_space<hbm>>
      %dma_wait3A_363 = tpu.memref_slice %arg7[%dma_wait3A_354] : memref<8x!tpu.dma_semaphore, #tpu.memory_space<semaphore_mem>> -> memref<1x!tpu.dma_semaphore, #tpu.memory_space<semaphore_mem>>
      %dma_wait3A_364 = tpu.memref_squeeze %dma_wait3A_363 : memref<1x!tpu.dma_semaphore, #tpu.memory_space<semaphore_mem>> -> memref<!tpu.dma_semaphore, #tpu.memory_space<semaphore_mem>>
      tpu.wait_indirect_dma semaphore(%dma_wait3A_364 : memref<!tpu.dma_semaphore, #tpu.memory_space<semaphore_mem>>) src(%dma_wait3A_362 : memref<1000000x64xf32, #tpu.memory_space<hbm>>) dst(%dma_wait3A_358 : memref<128x64xf32, #tpu.memory_space<vmem>>)
      %mul3A_365 = arith.constant 128 : i32
      %mul3A_366 = arith.muli %add3A_350, %mul3A_365 : i32
      %add3A_367 = arith.addi %mul3A_2, %mul3A_366 : i32
      %multiple_of3A_368 = tpu.assume_multiple %add3A_367, 8 : i32
      %dma_start3A_369 = arith.constant 2 : i32
      %dma_start3A_370 = arith.constant 2 : i32
      %dma_start3A_371 = arith.constant 0 : i32
      %dma_start3A_372 = arith.constant 0 : i32
      %dma_start3A_373 = tpu.memref_slice %arg6[%dma_start3A_369, %dma_start3A_371, %dma_start3A_372] : memref<8x128x64xf32, #tpu.memory_space<vmem>> -> memref<1x128x64xf32, #tpu.memory_space<vmem>>
      %dma_start3A_374 = tpu.memref_squeeze %dma_start3A_373 : memref<1x128x64xf32, #tpu.memory_space<vmem>> -> memref<128x64xf32, #tpu.memory_space<vmem>>
      %dma_start3A_375 = arith.constant 0 : i32
      %dma_start3A_376 = tpu.memref_slice %arg4[%multiple_of3A_368, %dma_start3A_375] : memref<819200x64xf32, #tpu.memory_space<hbm>> -> memref<128x64xf32, #tpu.memory_space<hbm>>
      %dma_start3A_377 = tpu.memref_slice %arg8[%dma_start3A_370] : memref<8x!tpu.dma_semaphore, #tpu.memory_space<semaphore_mem>> -> memref<1x!tpu.dma_semaphore, #tpu.memory_space<semaphore_mem>>
      %dma_start3A_378 = tpu.memref_squeeze %dma_start3A_377 : memref<1x!tpu.dma_semaphore, #tpu.memory_space<semaphore_mem>> -> memref<!tpu.dma_semaphore, #tpu.memory_space<semaphore_mem>>
      %dma_start3A_379 = arith.constant 0 : i32
      %dma_start3A_380 = tpu.memref_slice %arg4[%multiple_of3A_368, %dma_start3A_379] : memref<819200x64xf32, #tpu.memory_space<hbm>> -> memref<128x64xf32, #tpu.memory_space<hbm>>
      %dma_start3A_381 = arith.constant 0 : i32
      %dma_start3A_382 = arith.constant 0 : i32
      %dma_start3A_383 = tpu.memref_slice %arg6[%dma_start3A_369, %dma_start3A_381, %dma_start3A_382] : memref<8x128x64xf32, #tpu.memory_space<vmem>> -> memref<1x128x64xf32, #tpu.memory_space<vmem>>
      %dma_start3A_384 = tpu.memref_squeeze %dma_start3A_383 : memref<1x128x64xf32, #tpu.memory_space<vmem>> -> memref<128x64xf32, #tpu.memory_space<vmem>>
      tpu.enqueue_dma source(%dma_start3A_384 : memref<128x64xf32, #tpu.memory_space<vmem>>) target(%dma_start3A_380 : memref<128x64xf32, #tpu.memory_space<hbm>>) target_semaphore(%dma_start3A_378 : memref<!tpu.dma_semaphore, #tpu.memory_space<semaphore_mem>>)
      %add3A_385 = arith.constant 8 : i32
      %add3A_386 = arith.addi %add3A_350, %add3A_385 : i32
      %lt3A_387 = arith.constant 200 : i32
      %lt3A_388 = arith.cmpi slt, %add3A_386, %lt3A_387 : i32
      %convert_element_type3A_389 = arith.extui %lt3A_388 : i1 to i32
      %cond3A_390 = arith.constant 0 : i32
      %cond3A_391 = arith.cmpi ne, %convert_element_type3A_389, %cond3A_390 : i32
      scf.if %cond3A_391 {
        %dma_wait3A_607 = arith.constant 2 : i32
        %dma_wait3A_608 = arith.constant 2 : i32
        %dma_wait3A_609 = arith.constant 0 : i32
        %dma_wait3A_610 = arith.constant 0 : i32
        %dma_wait3A_611 = tpu.memref_slice %arg6[%dma_wait3A_607, %dma_wait3A_609, %dma_wait3A_610] : memref<8x128x64xf32, #tpu.memory_space<vmem>> -> memref<1x128x64xf32, #tpu.memory_space<vmem>>
        %dma_wait3A_612 = tpu.memref_squeeze %dma_wait3A_611 : memref<1x128x64xf32, #tpu.memory_space<vmem>> -> memref<128x64xf32, #tpu.memory_space<vmem>>
        %dma_wait3A_613 = arith.constant 0 : i32
        %dma_wait3A_614 = tpu.memref_slice %arg4[%multiple_of3A_368, %dma_wait3A_613] : memref<819200x64xf32, #tpu.memory_space<hbm>> -> memref<128x64xf32, #tpu.memory_space<hbm>>
        %dma_wait3A_615 = tpu.memref_slice %arg8[%dma_wait3A_608] : memref<8x!tpu.dma_semaphore, #tpu.memory_space<semaphore_mem>> -> memref<1x!tpu.dma_semaphore, #tpu.memory_space<semaphore_mem>>
        %dma_wait3A_616 = tpu.memref_squeeze %dma_wait3A_615 : memref<1x!tpu.dma_semaphore, #tpu.memory_space<semaphore_mem>> -> memref<!tpu.dma_semaphore, #tpu.memory_space<semaphore_mem>>
        %dma_wait3A_617 = arith.constant 0 : i32
        %dma_wait3A_618 = tpu.memref_slice %arg4[%multiple_of3A_368, %dma_wait3A_617] : memref<819200x64xf32, #tpu.memory_space<hbm>> -> memref<128x64xf32, #tpu.memory_space<hbm>>
        %dma_wait3A_619 = arith.constant 0 : i32
        %dma_wait3A_620 = arith.constant 0 : i32
        %dma_wait3A_621 = tpu.memref_slice %arg6[%dma_wait3A_607, %dma_wait3A_619, %dma_wait3A_620] : memref<8x128x64xf32, #tpu.memory_space<vmem>> -> memref<1x128x64xf32, #tpu.memory_space<vmem>>
        %dma_wait3A_622 = tpu.memref_squeeze %dma_wait3A_621 : memref<1x128x64xf32, #tpu.memory_space<vmem>> -> memref<128x64xf32, #tpu.memory_space<vmem>>
        tpu.wait_dma2 semaphore(%dma_wait3A_616 : memref<!tpu.dma_semaphore, #tpu.memory_space<semaphore_mem>>) src(%dma_wait3A_622 : memref<128x64xf32, #tpu.memory_space<vmem>>) dst(%dma_wait3A_618 : memref<128x64xf32, #tpu.memory_space<hbm>>)
        %add3A_623 = arith.constant 8 : i32
        %add3A_624 = arith.addi %add3A_350, %add3A_623 : i32
        %mul3A_625 = arith.constant 128 : i32
        %mul3A_626 = arith.muli %add3A_624, %mul3A_625 : i32
        %dma_start3A_627 = arith.constant 2 : i32
        %dma_start3A_628 = arith.constant 2 : i32
        %dma_start3A_629 = arith.constant 0 : i32
        %dma_start3A_630 = arith.constant 0 : i32
        %dma_start3A_631 = tpu.memref_slice %arg6[%dma_start3A_627, %dma_start3A_629, %dma_start3A_630] : memref<8x128x64xf32, #tpu.memory_space<vmem>> -> memref<1x128x64xf32, #tpu.memory_space<vmem>>
        %dma_start3A_632 = tpu.memref_squeeze %dma_start3A_631 : memref<1x128x64xf32, #tpu.memory_space<vmem>> -> memref<128x64xf32, #tpu.memory_space<vmem>>
        %dma_start3A_633 = tpu.memref_slice %arg5[%mul3A_626] : memref<25600xi32, #tpu.memory_space<vmem>> -> memref<128xi32, #tpu.memory_space<vmem>>
        %dma_start3A_634 = arith.constant 0 : i32
        %dma_start3A_635 = arith.constant 0 : i32
        %dma_start3A_636 = tpu.memref_slice %arg3[%dma_start3A_634, %dma_start3A_635] : memref<1000000x64xf32, #tpu.memory_space<hbm>> -> memref<1000000x64xf32, #tpu.memory_space<hbm>>
        %dma_start3A_637 = tpu.memref_slice %arg7[%dma_start3A_628] : memref<8x!tpu.dma_semaphore, #tpu.memory_space<semaphore_mem>> -> memref<1x!tpu.dma_semaphore, #tpu.memory_space<semaphore_mem>>
        %dma_start3A_638 = tpu.memref_squeeze %dma_start3A_637 : memref<1x!tpu.dma_semaphore, #tpu.memory_space<semaphore_mem>> -> memref<!tpu.dma_semaphore, #tpu.memory_space<semaphore_mem>>
        tpu.enqueue_indirect_dma source(%dma_start3A_636 : memref<1000000x64xf32, #tpu.memory_space<hbm>>) target(%dma_start3A_632 : memref<128x64xf32, #tpu.memory_space<vmem>>) offsets(%dma_start3A_633 : memref<128xi32, #tpu.memory_space<vmem>>) semaphore(%dma_start3A_638 : memref<!tpu.dma_semaphore, #tpu.memory_space<semaphore_mem>>)
      } else {
      }
      %add3A_392 = arith.constant 3 : i32
      %add3A_393 = arith.addi %add3A_265, %add3A_392 : i32
      %mul3A_394 = arith.constant 128 : i32
      %mul3A_395 = arith.muli %add3A_393, %mul3A_394 : i32
      %dma_wait3A_396 = arith.constant 3 : i32
      %dma_wait3A_397 = arith.constant 3 : i32
      %dma_wait3A_398 = arith.constant 0 : i32
      %dma_wait3A_399 = arith.constant 0 : i32
      %dma_wait3A_400 = tpu.memref_slice %arg6[%dma_wait3A_396, %dma_wait3A_398, %dma_wait3A_399] : memref<8x128x64xf32, #tpu.memory_space<vmem>> -> memref<1x128x64xf32, #tpu.memory_space<vmem>>
      %dma_wait3A_401 = tpu.memref_squeeze %dma_wait3A_400 : memref<1x128x64xf32, #tpu.memory_space<vmem>> -> memref<128x64xf32, #tpu.memory_space<vmem>>
      %dma_wait3A_402 = tpu.memref_slice %arg5[%mul3A_395] : memref<25600xi32, #tpu.memory_space<vmem>> -> memref<128xi32, #tpu.memory_space<vmem>>
      %dma_wait3A_403 = arith.constant 0 : i32
      %dma_wait3A_404 = arith.constant 0 : i32
      %dma_wait3A_405 = tpu.memref_slice %arg3[%dma_wait3A_403, %dma_wait3A_404] : memref<1000000x64xf32, #tpu.memory_space<hbm>> -> memref<1000000x64xf32, #tpu.memory_space<hbm>>
      %dma_wait3A_406 = tpu.memref_slice %arg7[%dma_wait3A_397] : memref<8x!tpu.dma_semaphore, #tpu.memory_space<semaphore_mem>> -> memref<1x!tpu.dma_semaphore, #tpu.memory_space<semaphore_mem>>
      %dma_wait3A_407 = tpu.memref_squeeze %dma_wait3A_406 : memref<1x!tpu.dma_semaphore, #tpu.memory_space<semaphore_mem>> -> memref<!tpu.dma_semaphore, #tpu.memory_space<semaphore_mem>>
      tpu.wait_indirect_dma semaphore(%dma_wait3A_407 : memref<!tpu.dma_semaphore, #tpu.memory_space<semaphore_mem>>) src(%dma_wait3A_405 : memref<1000000x64xf32, #tpu.memory_space<hbm>>) dst(%dma_wait3A_401 : memref<128x64xf32, #tpu.memory_space<vmem>>)
      %mul3A_408 = arith.constant 128 : i32
      %mul3A_409 = arith.muli %add3A_393, %mul3A_408 : i32
      %add3A_410 = arith.addi %mul3A_2, %mul3A_409 : i32
      %multiple_of3A_411 = tpu.assume_multiple %add3A_410, 8 : i32
      %dma_start3A_412 = arith.constant 3 : i32
      %dma_start3A_413 = arith.constant 3 : i32
      %dma_start3A_414 = arith.constant 0 : i32
      %dma_start3A_415 = arith.constant 0 : i32
      %dma_start3A_416 = tpu.memref_slice %arg6[%dma_start3A_412, %dma_start3A_414, %dma_start3A_415] : memref<8x128x64xf32, #tpu.memory_space<vmem>> -> memref<1x128x64xf32, #tpu.memory_space<vmem>>
      %dma_start3A_417 = tpu.memref_squeeze %dma_start3A_416 : memref<1x128x64xf32, #tpu.memory_space<vmem>> -> memref<128x64xf32, #tpu.memory_space<vmem>>
      %dma_start3A_418 = arith.constant 0 : i32
      %dma_start3A_419 = tpu.memref_slice %arg4[%multiple_of3A_411, %dma_start3A_418] : memref<819200x64xf32, #tpu.memory_space<hbm>> -> memref<128x64xf32, #tpu.memory_space<hbm>>
      %dma_start3A_420 = tpu.memref_slice %arg8[%dma_start3A_413] : memref<8x!tpu.dma_semaphore, #tpu.memory_space<semaphore_mem>> -> memref<1x!tpu.dma_semaphore, #tpu.memory_space<semaphore_mem>>
      %dma_start3A_421 = tpu.memref_squeeze %dma_start3A_420 : memref<1x!tpu.dma_semaphore, #tpu.memory_space<semaphore_mem>> -> memref<!tpu.dma_semaphore, #tpu.memory_space<semaphore_mem>>
      %dma_start3A_422 = arith.constant 0 : i32
      %dma_start3A_423 = tpu.memref_slice %arg4[%multiple_of3A_411, %dma_start3A_422] : memref<819200x64xf32, #tpu.memory_space<hbm>> -> memref<128x64xf32, #tpu.memory_space<hbm>>
      %dma_start3A_424 = arith.constant 0 : i32
      %dma_start3A_425 = arith.constant 0 : i32
      %dma_start3A_426 = tpu.memref_slice %arg6[%dma_start3A_412, %dma_start3A_424, %dma_start3A_425] : memref<8x128x64xf32, #tpu.memory_space<vmem>> -> memref<1x128x64xf32, #tpu.memory_space<vmem>>
      %dma_start3A_427 = tpu.memref_squeeze %dma_start3A_426 : memref<1x128x64xf32, #tpu.memory_space<vmem>> -> memref<128x64xf32, #tpu.memory_space<vmem>>
      tpu.enqueue_dma source(%dma_start3A_427 : memref<128x64xf32, #tpu.memory_space<vmem>>) target(%dma_start3A_423 : memref<128x64xf32, #tpu.memory_space<hbm>>) target_semaphore(%dma_start3A_421 : memref<!tpu.dma_semaphore, #tpu.memory_space<semaphore_mem>>)
      %add3A_428 = arith.constant 8 : i32
      %add3A_429 = arith.addi %add3A_393, %add3A_428 : i32
      %lt3A_430 = arith.constant 200 : i32
      %lt3A_431 = arith.cmpi slt, %add3A_429, %lt3A_430 : i32
      %convert_element_type3A_432 = arith.extui %lt3A_431 : i1 to i32
      %cond3A_433 = arith.constant 0 : i32
      %cond3A_434 = arith.cmpi ne, %convert_element_type3A_432, %cond3A_433 : i32
      scf.if %cond3A_434 {
        %dma_wait3A_607 = arith.constant 3 : i32
        %dma_wait3A_608 = arith.constant 3 : i32
        %dma_wait3A_609 = arith.constant 0 : i32
        %dma_wait3A_610 = arith.constant 0 : i32
        %dma_wait3A_611 = tpu.memref_slice %arg6[%dma_wait3A_607, %dma_wait3A_609, %dma_wait3A_610] : memref<8x128x64xf32, #tpu.memory_space<vmem>> -> memref<1x128x64xf32, #tpu.memory_space<vmem>>
        %dma_wait3A_612 = tpu.memref_squeeze %dma_wait3A_611 : memref<1x128x64xf32, #tpu.memory_space<vmem>> -> memref<128x64xf32, #tpu.memory_space<vmem>>
        %dma_wait3A_613 = arith.constant 0 : i32
        %dma_wait3A_614 = tpu.memref_slice %arg4[%multiple_of3A_411, %dma_wait3A_613] : memref<819200x64xf32, #tpu.memory_space<hbm>> -> memref<128x64xf32, #tpu.memory_space<hbm>>
        %dma_wait3A_615 = tpu.memref_slice %arg8[%dma_wait3A_608] : memref<8x!tpu.dma_semaphore, #tpu.memory_space<semaphore_mem>> -> memref<1x!tpu.dma_semaphore, #tpu.memory_space<semaphore_mem>>
        %dma_wait3A_616 = tpu.memref_squeeze %dma_wait3A_615 : memref<1x!tpu.dma_semaphore, #tpu.memory_space<semaphore_mem>> -> memref<!tpu.dma_semaphore, #tpu.memory_space<semaphore_mem>>
        %dma_wait3A_617 = arith.constant 0 : i32
        %dma_wait3A_618 = tpu.memref_slice %arg4[%multiple_of3A_411, %dma_wait3A_617] : memref<819200x64xf32, #tpu.memory_space<hbm>> -> memref<128x64xf32, #tpu.memory_space<hbm>>
        %dma_wait3A_619 = arith.constant 0 : i32
        %dma_wait3A_620 = arith.constant 0 : i32
        %dma_wait3A_621 = tpu.memref_slice %arg6[%dma_wait3A_607, %dma_wait3A_619, %dma_wait3A_620] : memref<8x128x64xf32, #tpu.memory_space<vmem>> -> memref<1x128x64xf32, #tpu.memory_space<vmem>>
        %dma_wait3A_622 = tpu.memref_squeeze %dma_wait3A_621 : memref<1x128x64xf32, #tpu.memory_space<vmem>> -> memref<128x64xf32, #tpu.memory_space<vmem>>
        tpu.wait_dma2 semaphore(%dma_wait3A_616 : memref<!tpu.dma_semaphore, #tpu.memory_space<semaphore_mem>>) src(%dma_wait3A_622 : memref<128x64xf32, #tpu.memory_space<vmem>>) dst(%dma_wait3A_618 : memref<128x64xf32, #tpu.memory_space<hbm>>)
        %add3A_623 = arith.constant 8 : i32
        %add3A_624 = arith.addi %add3A_393, %add3A_623 : i32
        %mul3A_625 = arith.constant 128 : i32
        %mul3A_626 = arith.muli %add3A_624, %mul3A_625 : i32
        %dma_start3A_627 = arith.constant 3 : i32
        %dma_start3A_628 = arith.constant 3 : i32
        %dma_start3A_629 = arith.constant 0 : i32
        %dma_start3A_630 = arith.constant 0 : i32
        %dma_start3A_631 = tpu.memref_slice %arg6[%dma_start3A_627, %dma_start3A_629, %dma_start3A_630] : memref<8x128x64xf32, #tpu.memory_space<vmem>> -> memref<1x128x64xf32, #tpu.memory_space<vmem>>
        %dma_start3A_632 = tpu.memref_squeeze %dma_start3A_631 : memref<1x128x64xf32, #tpu.memory_space<vmem>> -> memref<128x64xf32, #tpu.memory_space<vmem>>
        %dma_start3A_633 = tpu.memref_slice %arg5[%mul3A_626] : memref<25600xi32, #tpu.memory_space<vmem>> -> memref<128xi32, #tpu.memory_space<vmem>>
        %dma_start3A_634 = arith.constant 0 : i32
        %dma_start3A_635 = arith.constant 0 : i32
        %dma_start3A_636 = tpu.memref_slice %arg3[%dma_start3A_634, %dma_start3A_635] : memref<1000000x64xf32, #tpu.memory_space<hbm>> -> memref<1000000x64xf32, #tpu.memory_space<hbm>>
        %dma_start3A_637 = tpu.memref_slice %arg7[%dma_start3A_628] : memref<8x!tpu.dma_semaphore, #tpu.memory_space<semaphore_mem>> -> memref<1x!tpu.dma_semaphore, #tpu.memory_space<semaphore_mem>>
        %dma_start3A_638 = tpu.memref_squeeze %dma_start3A_637 : memref<1x!tpu.dma_semaphore, #tpu.memory_space<semaphore_mem>> -> memref<!tpu.dma_semaphore, #tpu.memory_space<semaphore_mem>>
        tpu.enqueue_indirect_dma source(%dma_start3A_636 : memref<1000000x64xf32, #tpu.memory_space<hbm>>) target(%dma_start3A_632 : memref<128x64xf32, #tpu.memory_space<vmem>>) offsets(%dma_start3A_633 : memref<128xi32, #tpu.memory_space<vmem>>) semaphore(%dma_start3A_638 : memref<!tpu.dma_semaphore, #tpu.memory_space<semaphore_mem>>)
      } else {
      }
      %add3A_435 = arith.constant 4 : i32
      %add3A_436 = arith.addi %add3A_265, %add3A_435 : i32
      %mul3A_437 = arith.constant 128 : i32
      %mul3A_438 = arith.muli %add3A_436, %mul3A_437 : i32
      %dma_wait3A_439 = arith.constant 4 : i32
      %dma_wait3A_440 = arith.constant 4 : i32
      %dma_wait3A_441 = arith.constant 0 : i32
      %dma_wait3A_442 = arith.constant 0 : i32
      %dma_wait3A_443 = tpu.memref_slice %arg6[%dma_wait3A_439, %dma_wait3A_441, %dma_wait3A_442] : memref<8x128x64xf32, #tpu.memory_space<vmem>> -> memref<1x128x64xf32, #tpu.memory_space<vmem>>
      %dma_wait3A_444 = tpu.memref_squeeze %dma_wait3A_443 : memref<1x128x64xf32, #tpu.memory_space<vmem>> -> memref<128x64xf32, #tpu.memory_space<vmem>>
      %dma_wait3A_445 = tpu.memref_slice %arg5[%mul3A_438] : memref<25600xi32, #tpu.memory_space<vmem>> -> memref<128xi32, #tpu.memory_space<vmem>>
      %dma_wait3A_446 = arith.constant 0 : i32
      %dma_wait3A_447 = arith.constant 0 : i32
      %dma_wait3A_448 = tpu.memref_slice %arg3[%dma_wait3A_446, %dma_wait3A_447] : memref<1000000x64xf32, #tpu.memory_space<hbm>> -> memref<1000000x64xf32, #tpu.memory_space<hbm>>
      %dma_wait3A_449 = tpu.memref_slice %arg7[%dma_wait3A_440] : memref<8x!tpu.dma_semaphore, #tpu.memory_space<semaphore_mem>> -> memref<1x!tpu.dma_semaphore, #tpu.memory_space<semaphore_mem>>
      %dma_wait3A_450 = tpu.memref_squeeze %dma_wait3A_449 : memref<1x!tpu.dma_semaphore, #tpu.memory_space<semaphore_mem>> -> memref<!tpu.dma_semaphore, #tpu.memory_space<semaphore_mem>>
      tpu.wait_indirect_dma semaphore(%dma_wait3A_450 : memref<!tpu.dma_semaphore, #tpu.memory_space<semaphore_mem>>) src(%dma_wait3A_448 : memref<1000000x64xf32, #tpu.memory_space<hbm>>) dst(%dma_wait3A_444 : memref<128x64xf32, #tpu.memory_space<vmem>>)
      %mul3A_451 = arith.constant 128 : i32
      %mul3A_452 = arith.muli %add3A_436, %mul3A_451 : i32
      %add3A_453 = arith.addi %mul3A_2, %mul3A_452 : i32
      %multiple_of3A_454 = tpu.assume_multiple %add3A_453, 8 : i32
      %dma_start3A_455 = arith.constant 4 : i32
      %dma_start3A_456 = arith.constant 4 : i32
      %dma_start3A_457 = arith.constant 0 : i32
      %dma_start3A_458 = arith.constant 0 : i32
      %dma_start3A_459 = tpu.memref_slice %arg6[%dma_start3A_455, %dma_start3A_457, %dma_start3A_458] : memref<8x128x64xf32, #tpu.memory_space<vmem>> -> memref<1x128x64xf32, #tpu.memory_space<vmem>>
      %dma_start3A_460 = tpu.memref_squeeze %dma_start3A_459 : memref<1x128x64xf32, #tpu.memory_space<vmem>> -> memref<128x64xf32, #tpu.memory_space<vmem>>
      %dma_start3A_461 = arith.constant 0 : i32
      %dma_start3A_462 = tpu.memref_slice %arg4[%multiple_of3A_454, %dma_start3A_461] : memref<819200x64xf32, #tpu.memory_space<hbm>> -> memref<128x64xf32, #tpu.memory_space<hbm>>
      %dma_start3A_463 = tpu.memref_slice %arg8[%dma_start3A_456] : memref<8x!tpu.dma_semaphore, #tpu.memory_space<semaphore_mem>> -> memref<1x!tpu.dma_semaphore, #tpu.memory_space<semaphore_mem>>
      %dma_start3A_464 = tpu.memref_squeeze %dma_start3A_463 : memref<1x!tpu.dma_semaphore, #tpu.memory_space<semaphore_mem>> -> memref<!tpu.dma_semaphore, #tpu.memory_space<semaphore_mem>>
      %dma_start3A_465 = arith.constant 0 : i32
      %dma_start3A_466 = tpu.memref_slice %arg4[%multiple_of3A_454, %dma_start3A_465] : memref<819200x64xf32, #tpu.memory_space<hbm>> -> memref<128x64xf32, #tpu.memory_space<hbm>>
      %dma_start3A_467 = arith.constant 0 : i32
      %dma_start3A_468 = arith.constant 0 : i32
      %dma_start3A_469 = tpu.memref_slice %arg6[%dma_start3A_455, %dma_start3A_467, %dma_start3A_468] : memref<8x128x64xf32, #tpu.memory_space<vmem>> -> memref<1x128x64xf32, #tpu.memory_space<vmem>>
      %dma_start3A_470 = tpu.memref_squeeze %dma_start3A_469 : memref<1x128x64xf32, #tpu.memory_space<vmem>> -> memref<128x64xf32, #tpu.memory_space<vmem>>
      tpu.enqueue_dma source(%dma_start3A_470 : memref<128x64xf32, #tpu.memory_space<vmem>>) target(%dma_start3A_466 : memref<128x64xf32, #tpu.memory_space<hbm>>) target_semaphore(%dma_start3A_464 : memref<!tpu.dma_semaphore, #tpu.memory_space<semaphore_mem>>)
      %add3A_471 = arith.constant 8 : i32
      %add3A_472 = arith.addi %add3A_436, %add3A_471 : i32
      %lt3A_473 = arith.constant 200 : i32
      %lt3A_474 = arith.cmpi slt, %add3A_472, %lt3A_473 : i32
      %convert_element_type3A_475 = arith.extui %lt3A_474 : i1 to i32
      %cond3A_476 = arith.constant 0 : i32
      %cond3A_477 = arith.cmpi ne, %convert_element_type3A_475, %cond3A_476 : i32
      scf.if %cond3A_477 {
        %dma_wait3A_607 = arith.constant 4 : i32
        %dma_wait3A_608 = arith.constant 4 : i32
        %dma_wait3A_609 = arith.constant 0 : i32
        %dma_wait3A_610 = arith.constant 0 : i32
        %dma_wait3A_611 = tpu.memref_slice %arg6[%dma_wait3A_607, %dma_wait3A_609, %dma_wait3A_610] : memref<8x128x64xf32, #tpu.memory_space<vmem>> -> memref<1x128x64xf32, #tpu.memory_space<vmem>>
        %dma_wait3A_612 = tpu.memref_squeeze %dma_wait3A_611 : memref<1x128x64xf32, #tpu.memory_space<vmem>> -> memref<128x64xf32, #tpu.memory_space<vmem>>
        %dma_wait3A_613 = arith.constant 0 : i32
        %dma_wait3A_614 = tpu.memref_slice %arg4[%multiple_of3A_454, %dma_wait3A_613] : memref<819200x64xf32, #tpu.memory_space<hbm>> -> memref<128x64xf32, #tpu.memory_space<hbm>>
        %dma_wait3A_615 = tpu.memref_slice %arg8[%dma_wait3A_608] : memref<8x!tpu.dma_semaphore, #tpu.memory_space<semaphore_mem>> -> memref<1x!tpu.dma_semaphore, #tpu.memory_space<semaphore_mem>>
        %dma_wait3A_616 = tpu.memref_squeeze %dma_wait3A_615 : memref<1x!tpu.dma_semaphore, #tpu.memory_space<semaphore_mem>> -> memref<!tpu.dma_semaphore, #tpu.memory_space<semaphore_mem>>
        %dma_wait3A_617 = arith.constant 0 : i32
        %dma_wait3A_618 = tpu.memref_slice %arg4[%multiple_of3A_454, %dma_wait3A_617] : memref<819200x64xf32, #tpu.memory_space<hbm>> -> memref<128x64xf32, #tpu.memory_space<hbm>>
        %dma_wait3A_619 = arith.constant 0 : i32
        %dma_wait3A_620 = arith.constant 0 : i32
        %dma_wait3A_621 = tpu.memref_slice %arg6[%dma_wait3A_607, %dma_wait3A_619, %dma_wait3A_620] : memref<8x128x64xf32, #tpu.memory_space<vmem>> -> memref<1x128x64xf32, #tpu.memory_space<vmem>>
        %dma_wait3A_622 = tpu.memref_squeeze %dma_wait3A_621 : memref<1x128x64xf32, #tpu.memory_space<vmem>> -> memref<128x64xf32, #tpu.memory_space<vmem>>
        tpu.wait_dma2 semaphore(%dma_wait3A_616 : memref<!tpu.dma_semaphore, #tpu.memory_space<semaphore_mem>>) src(%dma_wait3A_622 : memref<128x64xf32, #tpu.memory_space<vmem>>) dst(%dma_wait3A_618 : memref<128x64xf32, #tpu.memory_space<hbm>>)
        %add3A_623 = arith.constant 8 : i32
        %add3A_624 = arith.addi %add3A_436, %add3A_623 : i32
        %mul3A_625 = arith.constant 128 : i32
        %mul3A_626 = arith.muli %add3A_624, %mul3A_625 : i32
        %dma_start3A_627 = arith.constant 4 : i32
        %dma_start3A_628 = arith.constant 4 : i32
        %dma_start3A_629 = arith.constant 0 : i32
        %dma_start3A_630 = arith.constant 0 : i32
        %dma_start3A_631 = tpu.memref_slice %arg6[%dma_start3A_627, %dma_start3A_629, %dma_start3A_630] : memref<8x128x64xf32, #tpu.memory_space<vmem>> -> memref<1x128x64xf32, #tpu.memory_space<vmem>>
        %dma_start3A_632 = tpu.memref_squeeze %dma_start3A_631 : memref<1x128x64xf32, #tpu.memory_space<vmem>> -> memref<128x64xf32, #tpu.memory_space<vmem>>
        %dma_start3A_633 = tpu.memref_slice %arg5[%mul3A_626] : memref<25600xi32, #tpu.memory_space<vmem>> -> memref<128xi32, #tpu.memory_space<vmem>>
        %dma_start3A_634 = arith.constant 0 : i32
        %dma_start3A_635 = arith.constant 0 : i32
        %dma_start3A_636 = tpu.memref_slice %arg3[%dma_start3A_634, %dma_start3A_635] : memref<1000000x64xf32, #tpu.memory_space<hbm>> -> memref<1000000x64xf32, #tpu.memory_space<hbm>>
        %dma_start3A_637 = tpu.memref_slice %arg7[%dma_start3A_628] : memref<8x!tpu.dma_semaphore, #tpu.memory_space<semaphore_mem>> -> memref<1x!tpu.dma_semaphore, #tpu.memory_space<semaphore_mem>>
        %dma_start3A_638 = tpu.memref_squeeze %dma_start3A_637 : memref<1x!tpu.dma_semaphore, #tpu.memory_space<semaphore_mem>> -> memref<!tpu.dma_semaphore, #tpu.memory_space<semaphore_mem>>
        tpu.enqueue_indirect_dma source(%dma_start3A_636 : memref<1000000x64xf32, #tpu.memory_space<hbm>>) target(%dma_start3A_632 : memref<128x64xf32, #tpu.memory_space<vmem>>) offsets(%dma_start3A_633 : memref<128xi32, #tpu.memory_space<vmem>>) semaphore(%dma_start3A_638 : memref<!tpu.dma_semaphore, #tpu.memory_space<semaphore_mem>>)
      } else {
      }
      %add3A_478 = arith.constant 5 : i32
      %add3A_479 = arith.addi %add3A_265, %add3A_478 : i32
      %mul3A_480 = arith.constant 128 : i32
      %mul3A_481 = arith.muli %add3A_479, %mul3A_480 : i32
      %dma_wait3A_482 = arith.constant 5 : i32
      %dma_wait3A_483 = arith.constant 5 : i32
      %dma_wait3A_484 = arith.constant 0 : i32
      %dma_wait3A_485 = arith.constant 0 : i32
      %dma_wait3A_486 = tpu.memref_slice %arg6[%dma_wait3A_482, %dma_wait3A_484, %dma_wait3A_485] : memref<8x128x64xf32, #tpu.memory_space<vmem>> -> memref<1x128x64xf32, #tpu.memory_space<vmem>>
      %dma_wait3A_487 = tpu.memref_squeeze %dma_wait3A_486 : memref<1x128x64xf32, #tpu.memory_space<vmem>> -> memref<128x64xf32, #tpu.memory_space<vmem>>
      %dma_wait3A_488 = tpu.memref_slice %arg5[%mul3A_481] : memref<25600xi32, #tpu.memory_space<vmem>> -> memref<128xi32, #tpu.memory_space<vmem>>
      %dma_wait3A_489 = arith.constant 0 : i32
      %dma_wait3A_490 = arith.constant 0 : i32
      %dma_wait3A_491 = tpu.memref_slice %arg3[%dma_wait3A_489, %dma_wait3A_490] : memref<1000000x64xf32, #tpu.memory_space<hbm>> -> memref<1000000x64xf32, #tpu.memory_space<hbm>>
      %dma_wait3A_492 = tpu.memref_slice %arg7[%dma_wait3A_483] : memref<8x!tpu.dma_semaphore, #tpu.memory_space<semaphore_mem>> -> memref<1x!tpu.dma_semaphore, #tpu.memory_space<semaphore_mem>>
      %dma_wait3A_493 = tpu.memref_squeeze %dma_wait3A_492 : memref<1x!tpu.dma_semaphore, #tpu.memory_space<semaphore_mem>> -> memref<!tpu.dma_semaphore, #tpu.memory_space<semaphore_mem>>
      tpu.wait_indirect_dma semaphore(%dma_wait3A_493 : memref<!tpu.dma_semaphore, #tpu.memory_space<semaphore_mem>>) src(%dma_wait3A_491 : memref<1000000x64xf32, #tpu.memory_space<hbm>>) dst(%dma_wait3A_487 : memref<128x64xf32, #tpu.memory_space<vmem>>)
      %mul3A_494 = arith.constant 128 : i32
      %mul3A_495 = arith.muli %add3A_479, %mul3A_494 : i32
      %add3A_496 = arith.addi %mul3A_2, %mul3A_495 : i32
      %multiple_of3A_497 = tpu.assume_multiple %add3A_496, 8 : i32
      %dma_start3A_498 = arith.constant 5 : i32
      %dma_start3A_499 = arith.constant 5 : i32
      %dma_start3A_500 = arith.constant 0 : i32
      %dma_start3A_501 = arith.constant 0 : i32
      %dma_start3A_502 = tpu.memref_slice %arg6[%dma_start3A_498, %dma_start3A_500, %dma_start3A_501] : memref<8x128x64xf32, #tpu.memory_space<vmem>> -> memref<1x128x64xf32, #tpu.memory_space<vmem>>
      %dma_start3A_503 = tpu.memref_squeeze %dma_start3A_502 : memref<1x128x64xf32, #tpu.memory_space<vmem>> -> memref<128x64xf32, #tpu.memory_space<vmem>>
      %dma_start3A_504 = arith.constant 0 : i32
      %dma_start3A_505 = tpu.memref_slice %arg4[%multiple_of3A_497, %dma_start3A_504] : memref<819200x64xf32, #tpu.memory_space<hbm>> -> memref<128x64xf32, #tpu.memory_space<hbm>>
      %dma_start3A_506 = tpu.memref_slice %arg8[%dma_start3A_499] : memref<8x!tpu.dma_semaphore, #tpu.memory_space<semaphore_mem>> -> memref<1x!tpu.dma_semaphore, #tpu.memory_space<semaphore_mem>>
      %dma_start3A_507 = tpu.memref_squeeze %dma_start3A_506 : memref<1x!tpu.dma_semaphore, #tpu.memory_space<semaphore_mem>> -> memref<!tpu.dma_semaphore, #tpu.memory_space<semaphore_mem>>
      %dma_start3A_508 = arith.constant 0 : i32
      %dma_start3A_509 = tpu.memref_slice %arg4[%multiple_of3A_497, %dma_start3A_508] : memref<819200x64xf32, #tpu.memory_space<hbm>> -> memref<128x64xf32, #tpu.memory_space<hbm>>
      %dma_start3A_510 = arith.constant 0 : i32
      %dma_start3A_511 = arith.constant 0 : i32
      %dma_start3A_512 = tpu.memref_slice %arg6[%dma_start3A_498, %dma_start3A_510, %dma_start3A_511] : memref<8x128x64xf32, #tpu.memory_space<vmem>> -> memref<1x128x64xf32, #tpu.memory_space<vmem>>
      %dma_start3A_513 = tpu.memref_squeeze %dma_start3A_512 : memref<1x128x64xf32, #tpu.memory_space<vmem>> -> memref<128x64xf32, #tpu.memory_space<vmem>>
      tpu.enqueue_dma source(%dma_start3A_513 : memref<128x64xf32, #tpu.memory_space<vmem>>) target(%dma_start3A_509 : memref<128x64xf32, #tpu.memory_space<hbm>>) target_semaphore(%dma_start3A_507 : memref<!tpu.dma_semaphore, #tpu.memory_space<semaphore_mem>>)
      %add3A_514 = arith.constant 8 : i32
      %add3A_515 = arith.addi %add3A_479, %add3A_514 : i32
      %lt3A_516 = arith.constant 200 : i32
      %lt3A_517 = arith.cmpi slt, %add3A_515, %lt3A_516 : i32
      %convert_element_type3A_518 = arith.extui %lt3A_517 : i1 to i32
      %cond3A_519 = arith.constant 0 : i32
      %cond3A_520 = arith.cmpi ne, %convert_element_type3A_518, %cond3A_519 : i32
      scf.if %cond3A_520 {
        %dma_wait3A_607 = arith.constant 5 : i32
        %dma_wait3A_608 = arith.constant 5 : i32
        %dma_wait3A_609 = arith.constant 0 : i32
        %dma_wait3A_610 = arith.constant 0 : i32
        %dma_wait3A_611 = tpu.memref_slice %arg6[%dma_wait3A_607, %dma_wait3A_609, %dma_wait3A_610] : memref<8x128x64xf32, #tpu.memory_space<vmem>> -> memref<1x128x64xf32, #tpu.memory_space<vmem>>
        %dma_wait3A_612 = tpu.memref_squeeze %dma_wait3A_611 : memref<1x128x64xf32, #tpu.memory_space<vmem>> -> memref<128x64xf32, #tpu.memory_space<vmem>>
        %dma_wait3A_613 = arith.constant 0 : i32
        %dma_wait3A_614 = tpu.memref_slice %arg4[%multiple_of3A_497, %dma_wait3A_613] : memref<819200x64xf32, #tpu.memory_space<hbm>> -> memref<128x64xf32, #tpu.memory_space<hbm>>
        %dma_wait3A_615 = tpu.memref_slice %arg8[%dma_wait3A_608] : memref<8x!tpu.dma_semaphore, #tpu.memory_space<semaphore_mem>> -> memref<1x!tpu.dma_semaphore, #tpu.memory_space<semaphore_mem>>
        %dma_wait3A_616 = tpu.memref_squeeze %dma_wait3A_615 : memref<1x!tpu.dma_semaphore, #tpu.memory_space<semaphore_mem>> -> memref<!tpu.dma_semaphore, #tpu.memory_space<semaphore_mem>>
        %dma_wait3A_617 = arith.constant 0 : i32
        %dma_wait3A_618 = tpu.memref_slice %arg4[%multiple_of3A_497, %dma_wait3A_617] : memref<819200x64xf32, #tpu.memory_space<hbm>> -> memref<128x64xf32, #tpu.memory_space<hbm>>
        %dma_wait3A_619 = arith.constant 0 : i32
        %dma_wait3A_620 = arith.constant 0 : i32
        %dma_wait3A_621 = tpu.memref_slice %arg6[%dma_wait3A_607, %dma_wait3A_619, %dma_wait3A_620] : memref<8x128x64xf32, #tpu.memory_space<vmem>> -> memref<1x128x64xf32, #tpu.memory_space<vmem>>
        %dma_wait3A_622 = tpu.memref_squeeze %dma_wait3A_621 : memref<1x128x64xf32, #tpu.memory_space<vmem>> -> memref<128x64xf32, #tpu.memory_space<vmem>>
        tpu.wait_dma2 semaphore(%dma_wait3A_616 : memref<!tpu.dma_semaphore, #tpu.memory_space<semaphore_mem>>) src(%dma_wait3A_622 : memref<128x64xf32, #tpu.memory_space<vmem>>) dst(%dma_wait3A_618 : memref<128x64xf32, #tpu.memory_space<hbm>>)
        %add3A_623 = arith.constant 8 : i32
        %add3A_624 = arith.addi %add3A_479, %add3A_623 : i32
        %mul3A_625 = arith.constant 128 : i32
        %mul3A_626 = arith.muli %add3A_624, %mul3A_625 : i32
        %dma_start3A_627 = arith.constant 5 : i32
        %dma_start3A_628 = arith.constant 5 : i32
        %dma_start3A_629 = arith.constant 0 : i32
        %dma_start3A_630 = arith.constant 0 : i32
        %dma_start3A_631 = tpu.memref_slice %arg6[%dma_start3A_627, %dma_start3A_629, %dma_start3A_630] : memref<8x128x64xf32, #tpu.memory_space<vmem>> -> memref<1x128x64xf32, #tpu.memory_space<vmem>>
        %dma_start3A_632 = tpu.memref_squeeze %dma_start3A_631 : memref<1x128x64xf32, #tpu.memory_space<vmem>> -> memref<128x64xf32, #tpu.memory_space<vmem>>
        %dma_start3A_633 = tpu.memref_slice %arg5[%mul3A_626] : memref<25600xi32, #tpu.memory_space<vmem>> -> memref<128xi32, #tpu.memory_space<vmem>>
        %dma_start3A_634 = arith.constant 0 : i32
        %dma_start3A_635 = arith.constant 0 : i32
        %dma_start3A_636 = tpu.memref_slice %arg3[%dma_start3A_634, %dma_start3A_635] : memref<1000000x64xf32, #tpu.memory_space<hbm>> -> memref<1000000x64xf32, #tpu.memory_space<hbm>>
        %dma_start3A_637 = tpu.memref_slice %arg7[%dma_start3A_628] : memref<8x!tpu.dma_semaphore, #tpu.memory_space<semaphore_mem>> -> memref<1x!tpu.dma_semaphore, #tpu.memory_space<semaphore_mem>>
        %dma_start3A_638 = tpu.memref_squeeze %dma_start3A_637 : memref<1x!tpu.dma_semaphore, #tpu.memory_space<semaphore_mem>> -> memref<!tpu.dma_semaphore, #tpu.memory_space<semaphore_mem>>
        tpu.enqueue_indirect_dma source(%dma_start3A_636 : memref<1000000x64xf32, #tpu.memory_space<hbm>>) target(%dma_start3A_632 : memref<128x64xf32, #tpu.memory_space<vmem>>) offsets(%dma_start3A_633 : memref<128xi32, #tpu.memory_space<vmem>>) semaphore(%dma_start3A_638 : memref<!tpu.dma_semaphore, #tpu.memory_space<semaphore_mem>>)
      } else {
      }
      %add3A_521 = arith.constant 6 : i32
      %add3A_522 = arith.addi %add3A_265, %add3A_521 : i32
      %mul3A_523 = arith.constant 128 : i32
      %mul3A_524 = arith.muli %add3A_522, %mul3A_523 : i32
      %dma_wait3A_525 = arith.constant 6 : i32
      %dma_wait3A_526 = arith.constant 6 : i32
      %dma_wait3A_527 = arith.constant 0 : i32
      %dma_wait3A_528 = arith.constant 0 : i32
      %dma_wait3A_529 = tpu.memref_slice %arg6[%dma_wait3A_525, %dma_wait3A_527, %dma_wait3A_528] : memref<8x128x64xf32, #tpu.memory_space<vmem>> -> memref<1x128x64xf32, #tpu.memory_space<vmem>>
      %dma_wait3A_530 = tpu.memref_squeeze %dma_wait3A_529 : memref<1x128x64xf32, #tpu.memory_space<vmem>> -> memref<128x64xf32, #tpu.memory_space<vmem>>
      %dma_wait3A_531 = tpu.memref_slice %arg5[%mul3A_524] : memref<25600xi32, #tpu.memory_space<vmem>> -> memref<128xi32, #tpu.memory_space<vmem>>
      %dma_wait3A_532 = arith.constant 0 : i32
      %dma_wait3A_533 = arith.constant 0 : i32
      %dma_wait3A_534 = tpu.memref_slice %arg3[%dma_wait3A_532, %dma_wait3A_533] : memref<1000000x64xf32, #tpu.memory_space<hbm>> -> memref<1000000x64xf32, #tpu.memory_space<hbm>>
      %dma_wait3A_535 = tpu.memref_slice %arg7[%dma_wait3A_526] : memref<8x!tpu.dma_semaphore, #tpu.memory_space<semaphore_mem>> -> memref<1x!tpu.dma_semaphore, #tpu.memory_space<semaphore_mem>>
      %dma_wait3A_536 = tpu.memref_squeeze %dma_wait3A_535 : memref<1x!tpu.dma_semaphore, #tpu.memory_space<semaphore_mem>> -> memref<!tpu.dma_semaphore, #tpu.memory_space<semaphore_mem>>
      tpu.wait_indirect_dma semaphore(%dma_wait3A_536 : memref<!tpu.dma_semaphore, #tpu.memory_space<semaphore_mem>>) src(%dma_wait3A_534 : memref<1000000x64xf32, #tpu.memory_space<hbm>>) dst(%dma_wait3A_530 : memref<128x64xf32, #tpu.memory_space<vmem>>)
      %mul3A_537 = arith.constant 128 : i32
      %mul3A_538 = arith.muli %add3A_522, %mul3A_537 : i32
      %add3A_539 = arith.addi %mul3A_2, %mul3A_538 : i32
      %multiple_of3A_540 = tpu.assume_multiple %add3A_539, 8 : i32
      %dma_start3A_541 = arith.constant 6 : i32
      %dma_start3A_542 = arith.constant 6 : i32
      %dma_start3A_543 = arith.constant 0 : i32
      %dma_start3A_544 = arith.constant 0 : i32
      %dma_start3A_545 = tpu.memref_slice %arg6[%dma_start3A_541, %dma_start3A_543, %dma_start3A_544] : memref<8x128x64xf32, #tpu.memory_space<vmem>> -> memref<1x128x64xf32, #tpu.memory_space<vmem>>
      %dma_start3A_546 = tpu.memref_squeeze %dma_start3A_545 : memref<1x128x64xf32, #tpu.memory_space<vmem>> -> memref<128x64xf32, #tpu.memory_space<vmem>>
      %dma_start3A_547 = arith.constant 0 : i32
      %dma_start3A_548 = tpu.memref_slice %arg4[%multiple_of3A_540, %dma_start3A_547] : memref<819200x64xf32, #tpu.memory_space<hbm>> -> memref<128x64xf32, #tpu.memory_space<hbm>>
      %dma_start3A_549 = tpu.memref_slice %arg8[%dma_start3A_542] : memref<8x!tpu.dma_semaphore, #tpu.memory_space<semaphore_mem>> -> memref<1x!tpu.dma_semaphore, #tpu.memory_space<semaphore_mem>>
      %dma_start3A_550 = tpu.memref_squeeze %dma_start3A_549 : memref<1x!tpu.dma_semaphore, #tpu.memory_space<semaphore_mem>> -> memref<!tpu.dma_semaphore, #tpu.memory_space<semaphore_mem>>
      %dma_start3A_551 = arith.constant 0 : i32
      %dma_start3A_552 = tpu.memref_slice %arg4[%multiple_of3A_540, %dma_start3A_551] : memref<819200x64xf32, #tpu.memory_space<hbm>> -> memref<128x64xf32, #tpu.memory_space<hbm>>
      %dma_start3A_553 = arith.constant 0 : i32
      %dma_start3A_554 = arith.constant 0 : i32
      %dma_start3A_555 = tpu.memref_slice %arg6[%dma_start3A_541, %dma_start3A_553, %dma_start3A_554] : memref<8x128x64xf32, #tpu.memory_space<vmem>> -> memref<1x128x64xf32, #tpu.memory_space<vmem>>
      %dma_start3A_556 = tpu.memref_squeeze %dma_start3A_555 : memref<1x128x64xf32, #tpu.memory_space<vmem>> -> memref<128x64xf32, #tpu.memory_space<vmem>>
      tpu.enqueue_dma source(%dma_start3A_556 : memref<128x64xf32, #tpu.memory_space<vmem>>) target(%dma_start3A_552 : memref<128x64xf32, #tpu.memory_space<hbm>>) target_semaphore(%dma_start3A_550 : memref<!tpu.dma_semaphore, #tpu.memory_space<semaphore_mem>>)
      %add3A_557 = arith.constant 8 : i32
      %add3A_558 = arith.addi %add3A_522, %add3A_557 : i32
      %lt3A_559 = arith.constant 200 : i32
      %lt3A_560 = arith.cmpi slt, %add3A_558, %lt3A_559 : i32
      %convert_element_type3A_561 = arith.extui %lt3A_560 : i1 to i32
      %cond3A_562 = arith.constant 0 : i32
      %cond3A_563 = arith.cmpi ne, %convert_element_type3A_561, %cond3A_562 : i32
      scf.if %cond3A_563 {
        %dma_wait3A_607 = arith.constant 6 : i32
        %dma_wait3A_608 = arith.constant 6 : i32
        %dma_wait3A_609 = arith.constant 0 : i32
        %dma_wait3A_610 = arith.constant 0 : i32
        %dma_wait3A_611 = tpu.memref_slice %arg6[%dma_wait3A_607, %dma_wait3A_609, %dma_wait3A_610] : memref<8x128x64xf32, #tpu.memory_space<vmem>> -> memref<1x128x64xf32, #tpu.memory_space<vmem>>
        %dma_wait3A_612 = tpu.memref_squeeze %dma_wait3A_611 : memref<1x128x64xf32, #tpu.memory_space<vmem>> -> memref<128x64xf32, #tpu.memory_space<vmem>>
        %dma_wait3A_613 = arith.constant 0 : i32
        %dma_wait3A_614 = tpu.memref_slice %arg4[%multiple_of3A_540, %dma_wait3A_613] : memref<819200x64xf32, #tpu.memory_space<hbm>> -> memref<128x64xf32, #tpu.memory_space<hbm>>
        %dma_wait3A_615 = tpu.memref_slice %arg8[%dma_wait3A_608] : memref<8x!tpu.dma_semaphore, #tpu.memory_space<semaphore_mem>> -> memref<1x!tpu.dma_semaphore, #tpu.memory_space<semaphore_mem>>
        %dma_wait3A_616 = tpu.memref_squeeze %dma_wait3A_615 : memref<1x!tpu.dma_semaphore, #tpu.memory_space<semaphore_mem>> -> memref<!tpu.dma_semaphore, #tpu.memory_space<semaphore_mem>>
        %dma_wait3A_617 = arith.constant 0 : i32
        %dma_wait3A_618 = tpu.memref_slice %arg4[%multiple_of3A_540, %dma_wait3A_617] : memref<819200x64xf32, #tpu.memory_space<hbm>> -> memref<128x64xf32, #tpu.memory_space<hbm>>
        %dma_wait3A_619 = arith.constant 0 : i32
        %dma_wait3A_620 = arith.constant 0 : i32
        %dma_wait3A_621 = tpu.memref_slice %arg6[%dma_wait3A_607, %dma_wait3A_619, %dma_wait3A_620] : memref<8x128x64xf32, #tpu.memory_space<vmem>> -> memref<1x128x64xf32, #tpu.memory_space<vmem>>
        %dma_wait3A_622 = tpu.memref_squeeze %dma_wait3A_621 : memref<1x128x64xf32, #tpu.memory_space<vmem>> -> memref<128x64xf32, #tpu.memory_space<vmem>>
        tpu.wait_dma2 semaphore(%dma_wait3A_616 : memref<!tpu.dma_semaphore, #tpu.memory_space<semaphore_mem>>) src(%dma_wait3A_622 : memref<128x64xf32, #tpu.memory_space<vmem>>) dst(%dma_wait3A_618 : memref<128x64xf32, #tpu.memory_space<hbm>>)
        %add3A_623 = arith.constant 8 : i32
        %add3A_624 = arith.addi %add3A_522, %add3A_623 : i32
        %mul3A_625 = arith.constant 128 : i32
        %mul3A_626 = arith.muli %add3A_624, %mul3A_625 : i32
        %dma_start3A_627 = arith.constant 6 : i32
        %dma_start3A_628 = arith.constant 6 : i32
        %dma_start3A_629 = arith.constant 0 : i32
        %dma_start3A_630 = arith.constant 0 : i32
        %dma_start3A_631 = tpu.memref_slice %arg6[%dma_start3A_627, %dma_start3A_629, %dma_start3A_630] : memref<8x128x64xf32, #tpu.memory_space<vmem>> -> memref<1x128x64xf32, #tpu.memory_space<vmem>>
        %dma_start3A_632 = tpu.memref_squeeze %dma_start3A_631 : memref<1x128x64xf32, #tpu.memory_space<vmem>> -> memref<128x64xf32, #tpu.memory_space<vmem>>
        %dma_start3A_633 = tpu.memref_slice %arg5[%mul3A_626] : memref<25600xi32, #tpu.memory_space<vmem>> -> memref<128xi32, #tpu.memory_space<vmem>>
        %dma_start3A_634 = arith.constant 0 : i32
        %dma_start3A_635 = arith.constant 0 : i32
        %dma_start3A_636 = tpu.memref_slice %arg3[%dma_start3A_634, %dma_start3A_635] : memref<1000000x64xf32, #tpu.memory_space<hbm>> -> memref<1000000x64xf32, #tpu.memory_space<hbm>>
        %dma_start3A_637 = tpu.memref_slice %arg7[%dma_start3A_628] : memref<8x!tpu.dma_semaphore, #tpu.memory_space<semaphore_mem>> -> memref<1x!tpu.dma_semaphore, #tpu.memory_space<semaphore_mem>>
        %dma_start3A_638 = tpu.memref_squeeze %dma_start3A_637 : memref<1x!tpu.dma_semaphore, #tpu.memory_space<semaphore_mem>> -> memref<!tpu.dma_semaphore, #tpu.memory_space<semaphore_mem>>
        tpu.enqueue_indirect_dma source(%dma_start3A_636 : memref<1000000x64xf32, #tpu.memory_space<hbm>>) target(%dma_start3A_632 : memref<128x64xf32, #tpu.memory_space<vmem>>) offsets(%dma_start3A_633 : memref<128xi32, #tpu.memory_space<vmem>>) semaphore(%dma_start3A_638 : memref<!tpu.dma_semaphore, #tpu.memory_space<semaphore_mem>>)
      } else {
      }
      %add3A_564 = arith.constant 7 : i32
      %add3A_565 = arith.addi %add3A_265, %add3A_564 : i32
      %mul3A_566 = arith.constant 128 : i32
      %mul3A_567 = arith.muli %add3A_565, %mul3A_566 : i32
      %dma_wait3A_568 = arith.constant 7 : i32
      %dma_wait3A_569 = arith.constant 7 : i32
      %dma_wait3A_570 = arith.constant 0 : i32
      %dma_wait3A_571 = arith.constant 0 : i32
      %dma_wait3A_572 = tpu.memref_slice %arg6[%dma_wait3A_568, %dma_wait3A_570, %dma_wait3A_571] : memref<8x128x64xf32, #tpu.memory_space<vmem>> -> memref<1x128x64xf32, #tpu.memory_space<vmem>>
      %dma_wait3A_573 = tpu.memref_squeeze %dma_wait3A_572 : memref<1x128x64xf32, #tpu.memory_space<vmem>> -> memref<128x64xf32, #tpu.memory_space<vmem>>
      %dma_wait3A_574 = tpu.memref_slice %arg5[%mul3A_567] : memref<25600xi32, #tpu.memory_space<vmem>> -> memref<128xi32, #tpu.memory_space<vmem>>
      %dma_wait3A_575 = arith.constant 0 : i32
      %dma_wait3A_576 = arith.constant 0 : i32
      %dma_wait3A_577 = tpu.memref_slice %arg3[%dma_wait3A_575, %dma_wait3A_576] : memref<1000000x64xf32, #tpu.memory_space<hbm>> -> memref<1000000x64xf32, #tpu.memory_space<hbm>>
      %dma_wait3A_578 = tpu.memref_slice %arg7[%dma_wait3A_569] : memref<8x!tpu.dma_semaphore, #tpu.memory_space<semaphore_mem>> -> memref<1x!tpu.dma_semaphore, #tpu.memory_space<semaphore_mem>>
      %dma_wait3A_579 = tpu.memref_squeeze %dma_wait3A_578 : memref<1x!tpu.dma_semaphore, #tpu.memory_space<semaphore_mem>> -> memref<!tpu.dma_semaphore, #tpu.memory_space<semaphore_mem>>
      tpu.wait_indirect_dma semaphore(%dma_wait3A_579 : memref<!tpu.dma_semaphore, #tpu.memory_space<semaphore_mem>>) src(%dma_wait3A_577 : memref<1000000x64xf32, #tpu.memory_space<hbm>>) dst(%dma_wait3A_573 : memref<128x64xf32, #tpu.memory_space<vmem>>)
      %mul3A_580 = arith.constant 128 : i32
      %mul3A_581 = arith.muli %add3A_565, %mul3A_580 : i32
      %add3A_582 = arith.addi %mul3A_2, %mul3A_581 : i32
      %multiple_of3A_583 = tpu.assume_multiple %add3A_582, 8 : i32
      %dma_start3A_584 = arith.constant 7 : i32
      %dma_start3A_585 = arith.constant 7 : i32
      %dma_start3A_586 = arith.constant 0 : i32
      %dma_start3A_587 = arith.constant 0 : i32
      %dma_start3A_588 = tpu.memref_slice %arg6[%dma_start3A_584, %dma_start3A_586, %dma_start3A_587] : memref<8x128x64xf32, #tpu.memory_space<vmem>> -> memref<1x128x64xf32, #tpu.memory_space<vmem>>
      %dma_start3A_589 = tpu.memref_squeeze %dma_start3A_588 : memref<1x128x64xf32, #tpu.memory_space<vmem>> -> memref<128x64xf32, #tpu.memory_space<vmem>>
      %dma_start3A_590 = arith.constant 0 : i32
      %dma_start3A_591 = tpu.memref_slice %arg4[%multiple_of3A_583, %dma_start3A_590] : memref<819200x64xf32, #tpu.memory_space<hbm>> -> memref<128x64xf32, #tpu.memory_space<hbm>>
      %dma_start3A_592 = tpu.memref_slice %arg8[%dma_start3A_585] : memref<8x!tpu.dma_semaphore, #tpu.memory_space<semaphore_mem>> -> memref<1x!tpu.dma_semaphore, #tpu.memory_space<semaphore_mem>>
      %dma_start3A_593 = tpu.memref_squeeze %dma_start3A_592 : memref<1x!tpu.dma_semaphore, #tpu.memory_space<semaphore_mem>> -> memref<!tpu.dma_semaphore, #tpu.memory_space<semaphore_mem>>
      %dma_start3A_594 = arith.constant 0 : i32
      %dma_start3A_595 = tpu.memref_slice %arg4[%multiple_of3A_583, %dma_start3A_594] : memref<819200x64xf32, #tpu.memory_space<hbm>> -> memref<128x64xf32, #tpu.memory_space<hbm>>
      %dma_start3A_596 = arith.constant 0 : i32
      %dma_start3A_597 = arith.constant 0 : i32
      %dma_start3A_598 = tpu.memref_slice %arg6[%dma_start3A_584, %dma_start3A_596, %dma_start3A_597] : memref<8x128x64xf32, #tpu.memory_space<vmem>> -> memref<1x128x64xf32, #tpu.memory_space<vmem>>
      %dma_start3A_599 = tpu.memref_squeeze %dma_start3A_598 : memref<1x128x64xf32, #tpu.memory_space<vmem>> -> memref<128x64xf32, #tpu.memory_space<vmem>>
      tpu.enqueue_dma source(%dma_start3A_599 : memref<128x64xf32, #tpu.memory_space<vmem>>) target(%dma_start3A_595 : memref<128x64xf32, #tpu.memory_space<hbm>>) target_semaphore(%dma_start3A_593 : memref<!tpu.dma_semaphore, #tpu.memory_space<semaphore_mem>>)
      %add3A_600 = arith.constant 8 : i32
      %add3A_601 = arith.addi %add3A_565, %add3A_600 : i32
      %lt3A_602 = arith.constant 200 : i32
      %lt3A_603 = arith.cmpi slt, %add3A_601, %lt3A_602 : i32
      %convert_element_type3A_604 = arith.extui %lt3A_603 : i1 to i32
      %cond3A_605 = arith.constant 0 : i32
      %cond3A_606 = arith.cmpi ne, %convert_element_type3A_604, %cond3A_605 : i32
      scf.if %cond3A_606 {
        %dma_wait3A_607 = arith.constant 7 : i32
        %dma_wait3A_608 = arith.constant 7 : i32
        %dma_wait3A_609 = arith.constant 0 : i32
        %dma_wait3A_610 = arith.constant 0 : i32
        %dma_wait3A_611 = tpu.memref_slice %arg6[%dma_wait3A_607, %dma_wait3A_609, %dma_wait3A_610] : memref<8x128x64xf32, #tpu.memory_space<vmem>> -> memref<1x128x64xf32, #tpu.memory_space<vmem>>
        %dma_wait3A_612 = tpu.memref_squeeze %dma_wait3A_611 : memref<1x128x64xf32, #tpu.memory_space<vmem>> -> memref<128x64xf32, #tpu.memory_space<vmem>>
        %dma_wait3A_613 = arith.constant 0 : i32
        %dma_wait3A_614 = tpu.memref_slice %arg4[%multiple_of3A_583, %dma_wait3A_613] : memref<819200x64xf32, #tpu.memory_space<hbm>> -> memref<128x64xf32, #tpu.memory_space<hbm>>
        %dma_wait3A_615 = tpu.memref_slice %arg8[%dma_wait3A_608] : memref<8x!tpu.dma_semaphore, #tpu.memory_space<semaphore_mem>> -> memref<1x!tpu.dma_semaphore, #tpu.memory_space<semaphore_mem>>
        %dma_wait3A_616 = tpu.memref_squeeze %dma_wait3A_615 : memref<1x!tpu.dma_semaphore, #tpu.memory_space<semaphore_mem>> -> memref<!tpu.dma_semaphore, #tpu.memory_space<semaphore_mem>>
        %dma_wait3A_617 = arith.constant 0 : i32
        %dma_wait3A_618 = tpu.memref_slice %arg4[%multiple_of3A_583, %dma_wait3A_617] : memref<819200x64xf32, #tpu.memory_space<hbm>> -> memref<128x64xf32, #tpu.memory_space<hbm>>
        %dma_wait3A_619 = arith.constant 0 : i32
        %dma_wait3A_620 = arith.constant 0 : i32
        %dma_wait3A_621 = tpu.memref_slice %arg6[%dma_wait3A_607, %dma_wait3A_619, %dma_wait3A_620] : memref<8x128x64xf32, #tpu.memory_space<vmem>> -> memref<1x128x64xf32, #tpu.memory_space<vmem>>
        %dma_wait3A_622 = tpu.memref_squeeze %dma_wait3A_621 : memref<1x128x64xf32, #tpu.memory_space<vmem>> -> memref<128x64xf32, #tpu.memory_space<vmem>>
        tpu.wait_dma2 semaphore(%dma_wait3A_616 : memref<!tpu.dma_semaphore, #tpu.memory_space<semaphore_mem>>) src(%dma_wait3A_622 : memref<128x64xf32, #tpu.memory_space<vmem>>) dst(%dma_wait3A_618 : memref<128x64xf32, #tpu.memory_space<hbm>>)
        %add3A_623 = arith.constant 8 : i32
        %add3A_624 = arith.addi %add3A_565, %add3A_623 : i32
        %mul3A_625 = arith.constant 128 : i32
        %mul3A_626 = arith.muli %add3A_624, %mul3A_625 : i32
        %dma_start3A_627 = arith.constant 7 : i32
        %dma_start3A_628 = arith.constant 7 : i32
        %dma_start3A_629 = arith.constant 0 : i32
        %dma_start3A_630 = arith.constant 0 : i32
        %dma_start3A_631 = tpu.memref_slice %arg6[%dma_start3A_627, %dma_start3A_629, %dma_start3A_630] : memref<8x128x64xf32, #tpu.memory_space<vmem>> -> memref<1x128x64xf32, #tpu.memory_space<vmem>>
        %dma_start3A_632 = tpu.memref_squeeze %dma_start3A_631 : memref<1x128x64xf32, #tpu.memory_space<vmem>> -> memref<128x64xf32, #tpu.memory_space<vmem>>
        %dma_start3A_633 = tpu.memref_slice %arg5[%mul3A_626] : memref<25600xi32, #tpu.memory_space<vmem>> -> memref<128xi32, #tpu.memory_space<vmem>>
        %dma_start3A_634 = arith.constant 0 : i32
        %dma_start3A_635 = arith.constant 0 : i32
        %dma_start3A_636 = tpu.memref_slice %arg3[%dma_start3A_634, %dma_start3A_635] : memref<1000000x64xf32, #tpu.memory_space<hbm>> -> memref<1000000x64xf32, #tpu.memory_space<hbm>>
        %dma_start3A_637 = tpu.memref_slice %arg7[%dma_start3A_628] : memref<8x!tpu.dma_semaphore, #tpu.memory_space<semaphore_mem>> -> memref<1x!tpu.dma_semaphore, #tpu.memory_space<semaphore_mem>>
        %dma_start3A_638 = tpu.memref_squeeze %dma_start3A_637 : memref<1x!tpu.dma_semaphore, #tpu.memory_space<semaphore_mem>> -> memref<!tpu.dma_semaphore, #tpu.memory_space<semaphore_mem>>
        tpu.enqueue_indirect_dma source(%dma_start3A_636 : memref<1000000x64xf32, #tpu.memory_space<hbm>>) target(%dma_start3A_632 : memref<128x64xf32, #tpu.memory_space<vmem>>) offsets(%dma_start3A_633 : memref<128xi32, #tpu.memory_space<vmem>>) semaphore(%dma_start3A_638 : memref<!tpu.dma_semaphore, #tpu.memory_space<semaphore_mem>>)
      } else {
      }
    }
    %scan3A_109 = arith.constant 25 : i32
    %add3A_110 = arith.constant 24576 : i32
    %add3A_111 = arith.addi %mul3A_2, %add3A_110 : i32
    %multiple_of3A_112 = tpu.assume_multiple %add3A_111, 8 : i32
    %dma_wait3A = arith.constant 0 : i32
    %dma_wait3A_113 = arith.constant 0 : i32
    %dma_wait3A_114 = arith.constant 0 : i32
    %dma_wait3A_115 = arith.constant 0 : i32
    %dma_wait3A_116 = tpu.memref_slice %arg6[%dma_wait3A, %dma_wait3A_114, %dma_wait3A_115] : memref<8x128x64xf32, #tpu.memory_space<vmem>> -> memref<1x128x64xf32, #tpu.memory_space<vmem>>
    %dma_wait3A_117 = tpu.memref_squeeze %dma_wait3A_116 : memref<1x128x64xf32, #tpu.memory_space<vmem>> -> memref<128x64xf32, #tpu.memory_space<vmem>>
    %dma_wait3A_118 = arith.constant 0 : i32
    %dma_wait3A_119 = tpu.memref_slice %arg4[%multiple_of3A_112, %dma_wait3A_118] : memref<819200x64xf32, #tpu.memory_space<hbm>> -> memref<128x64xf32, #tpu.memory_space<hbm>>
    %dma_wait3A_120 = tpu.memref_slice %arg8[%dma_wait3A_113] : memref<8x!tpu.dma_semaphore, #tpu.memory_space<semaphore_mem>> -> memref<1x!tpu.dma_semaphore, #tpu.memory_space<semaphore_mem>>
    %dma_wait3A_121 = tpu.memref_squeeze %dma_wait3A_120 : memref<1x!tpu.dma_semaphore, #tpu.memory_space<semaphore_mem>> -> memref<!tpu.dma_semaphore, #tpu.memory_space<semaphore_mem>>
    %dma_wait3A_122 = arith.constant 0 : i32
    %dma_wait3A_123 = tpu.memref_slice %arg4[%multiple_of3A_112, %dma_wait3A_122] : memref<819200x64xf32, #tpu.memory_space<hbm>> -> memref<128x64xf32, #tpu.memory_space<hbm>>
    %dma_wait3A_124 = arith.constant 0 : i32
    %dma_wait3A_125 = arith.constant 0 : i32
    %dma_wait3A_126 = tpu.memref_slice %arg6[%dma_wait3A, %dma_wait3A_124, %dma_wait3A_125] : memref<8x128x64xf32, #tpu.memory_space<vmem>> -> memref<1x128x64xf32, #tpu.memory_space<vmem>>
    %dma_wait3A_127 = tpu.memref_squeeze %dma_wait3A_126 : memref<1x128x64xf32, #tpu.memory_space<vmem>> -> memref<128x64xf32, #tpu.memory_space<vmem>>
    tpu.wait_dma2 semaphore(%dma_wait3A_121 : memref<!tpu.dma_semaphore, #tpu.memory_space<semaphore_mem>>) src(%dma_wait3A_127 : memref<128x64xf32, #tpu.memory_space<vmem>>) dst(%dma_wait3A_123 : memref<128x64xf32, #tpu.memory_space<hbm>>)
    %add3A_128 = arith.constant 24704 : i32
    %add3A_129 = arith.addi %mul3A_2, %add3A_128 : i32
    %multiple_of3A_130 = tpu.assume_multiple %add3A_129, 8 : i32
    %dma_wait3A_131 = arith.constant 1 : i32
    %dma_wait3A_132 = arith.constant 1 : i32
    %dma_wait3A_133 = arith.constant 0 : i32
    %dma_wait3A_134 = arith.constant 0 : i32
    %dma_wait3A_135 = tpu.memref_slice %arg6[%dma_wait3A_131, %dma_wait3A_133, %dma_wait3A_134] : memref<8x128x64xf32, #tpu.memory_space<vmem>> -> memref<1x128x64xf32, #tpu.memory_space<vmem>>
    %dma_wait3A_136 = tpu.memref_squeeze %dma_wait3A_135 : memref<1x128x64xf32, #tpu.memory_space<vmem>> -> memref<128x64xf32, #tpu.memory_space<vmem>>
    %dma_wait3A_137 = arith.constant 0 : i32
    %dma_wait3A_138 = tpu.memref_slice %arg4[%multiple_of3A_130, %dma_wait3A_137] : memref<819200x64xf32, #tpu.memory_space<hbm>> -> memref<128x64xf32, #tpu.memory_space<hbm>>
    %dma_wait3A_139 = tpu.memref_slice %arg8[%dma_wait3A_132] : memref<8x!tpu.dma_semaphore, #tpu.memory_space<semaphore_mem>> -> memref<1x!tpu.dma_semaphore, #tpu.memory_space<semaphore_mem>>
    %dma_wait3A_140 = tpu.memref_squeeze %dma_wait3A_139 : memref<1x!tpu.dma_semaphore, #tpu.memory_space<semaphore_mem>> -> memref<!tpu.dma_semaphore, #tpu.memory_space<semaphore_mem>>
    %dma_wait3A_141 = arith.constant 0 : i32
    %dma_wait3A_142 = tpu.memref_slice %arg4[%multiple_of3A_130, %dma_wait3A_141] : memref<819200x64xf32, #tpu.memory_space<hbm>> -> memref<128x64xf32, #tpu.memory_space<hbm>>
    %dma_wait3A_143 = arith.constant 0 : i32
    %dma_wait3A_144 = arith.constant 0 : i32
    %dma_wait3A_145 = tpu.memref_slice %arg6[%dma_wait3A_131, %dma_wait3A_143, %dma_wait3A_144] : memref<8x128x64xf32, #tpu.memory_space<vmem>> -> memref<1x128x64xf32, #tpu.memory_space<vmem>>
    %dma_wait3A_146 = tpu.memref_squeeze %dma_wait3A_145 : memref<1x128x64xf32, #tpu.memory_space<vmem>> -> memref<128x64xf32, #tpu.memory_space<vmem>>
    tpu.wait_dma2 semaphore(%dma_wait3A_140 : memref<!tpu.dma_semaphore, #tpu.memory_space<semaphore_mem>>) src(%dma_wait3A_146 : memref<128x64xf32, #tpu.memory_space<vmem>>) dst(%dma_wait3A_142 : memref<128x64xf32, #tpu.memory_space<hbm>>)
    %add3A_147 = arith.constant 24832 : i32
    %add3A_148 = arith.addi %mul3A_2, %add3A_147 : i32
    %multiple_of3A_149 = tpu.assume_multiple %add3A_148, 8 : i32
    %dma_wait3A_150 = arith.constant 2 : i32
    %dma_wait3A_151 = arith.constant 2 : i32
    %dma_wait3A_152 = arith.constant 0 : i32
    %dma_wait3A_153 = arith.constant 0 : i32
    %dma_wait3A_154 = tpu.memref_slice %arg6[%dma_wait3A_150, %dma_wait3A_152, %dma_wait3A_153] : memref<8x128x64xf32, #tpu.memory_space<vmem>> -> memref<1x128x64xf32, #tpu.memory_space<vmem>>
    %dma_wait3A_155 = tpu.memref_squeeze %dma_wait3A_154 : memref<1x128x64xf32, #tpu.memory_space<vmem>> -> memref<128x64xf32, #tpu.memory_space<vmem>>
    %dma_wait3A_156 = arith.constant 0 : i32
    %dma_wait3A_157 = tpu.memref_slice %arg4[%multiple_of3A_149, %dma_wait3A_156] : memref<819200x64xf32, #tpu.memory_space<hbm>> -> memref<128x64xf32, #tpu.memory_space<hbm>>
    %dma_wait3A_158 = tpu.memref_slice %arg8[%dma_wait3A_151] : memref<8x!tpu.dma_semaphore, #tpu.memory_space<semaphore_mem>> -> memref<1x!tpu.dma_semaphore, #tpu.memory_space<semaphore_mem>>
    %dma_wait3A_159 = tpu.memref_squeeze %dma_wait3A_158 : memref<1x!tpu.dma_semaphore, #tpu.memory_space<semaphore_mem>> -> memref<!tpu.dma_semaphore, #tpu.memory_space<semaphore_mem>>
    %dma_wait3A_160 = arith.constant 0 : i32
    %dma_wait3A_161 = tpu.memref_slice %arg4[%multiple_of3A_149, %dma_wait3A_160] : memref<819200x64xf32, #tpu.memory_space<hbm>> -> memref<128x64xf32, #tpu.memory_space<hbm>>
    %dma_wait3A_162 = arith.constant 0 : i32
    %dma_wait3A_163 = arith.constant 0 : i32
    %dma_wait3A_164 = tpu.memref_slice %arg6[%dma_wait3A_150, %dma_wait3A_162, %dma_wait3A_163] : memref<8x128x64xf32, #tpu.memory_space<vmem>> -> memref<1x128x64xf32, #tpu.memory_space<vmem>>
    %dma_wait3A_165 = tpu.memref_squeeze %dma_wait3A_164 : memref<1x128x64xf32, #tpu.memory_space<vmem>> -> memref<128x64xf32, #tpu.memory_space<vmem>>
    tpu.wait_dma2 semaphore(%dma_wait3A_159 : memref<!tpu.dma_semaphore, #tpu.memory_space<semaphore_mem>>) src(%dma_wait3A_165 : memref<128x64xf32, #tpu.memory_space<vmem>>) dst(%dma_wait3A_161 : memref<128x64xf32, #tpu.memory_space<hbm>>)
    %add3A_166 = arith.constant 24960 : i32
    %add3A_167 = arith.addi %mul3A_2, %add3A_166 : i32
    %multiple_of3A_168 = tpu.assume_multiple %add3A_167, 8 : i32
    %dma_wait3A_169 = arith.constant 3 : i32
    %dma_wait3A_170 = arith.constant 3 : i32
    %dma_wait3A_171 = arith.constant 0 : i32
    %dma_wait3A_172 = arith.constant 0 : i32
    %dma_wait3A_173 = tpu.memref_slice %arg6[%dma_wait3A_169, %dma_wait3A_171, %dma_wait3A_172] : memref<8x128x64xf32, #tpu.memory_space<vmem>> -> memref<1x128x64xf32, #tpu.memory_space<vmem>>
    %dma_wait3A_174 = tpu.memref_squeeze %dma_wait3A_173 : memref<1x128x64xf32, #tpu.memory_space<vmem>> -> memref<128x64xf32, #tpu.memory_space<vmem>>
    %dma_wait3A_175 = arith.constant 0 : i32
    %dma_wait3A_176 = tpu.memref_slice %arg4[%multiple_of3A_168, %dma_wait3A_175] : memref<819200x64xf32, #tpu.memory_space<hbm>> -> memref<128x64xf32, #tpu.memory_space<hbm>>
    %dma_wait3A_177 = tpu.memref_slice %arg8[%dma_wait3A_170] : memref<8x!tpu.dma_semaphore, #tpu.memory_space<semaphore_mem>> -> memref<1x!tpu.dma_semaphore, #tpu.memory_space<semaphore_mem>>
    %dma_wait3A_178 = tpu.memref_squeeze %dma_wait3A_177 : memref<1x!tpu.dma_semaphore, #tpu.memory_space<semaphore_mem>> -> memref<!tpu.dma_semaphore, #tpu.memory_space<semaphore_mem>>
    %dma_wait3A_179 = arith.constant 0 : i32
    %dma_wait3A_180 = tpu.memref_slice %arg4[%multiple_of3A_168, %dma_wait3A_179] : memref<819200x64xf32, #tpu.memory_space<hbm>> -> memref<128x64xf32, #tpu.memory_space<hbm>>
    %dma_wait3A_181 = arith.constant 0 : i32
    %dma_wait3A_182 = arith.constant 0 : i32
    %dma_wait3A_183 = tpu.memref_slice %arg6[%dma_wait3A_169, %dma_wait3A_181, %dma_wait3A_182] : memref<8x128x64xf32, #tpu.memory_space<vmem>> -> memref<1x128x64xf32, #tpu.memory_space<vmem>>
    %dma_wait3A_184 = tpu.memref_squeeze %dma_wait3A_183 : memref<1x128x64xf32, #tpu.memory_space<vmem>> -> memref<128x64xf32, #tpu.memory_space<vmem>>
    tpu.wait_dma2 semaphore(%dma_wait3A_178 : memref<!tpu.dma_semaphore, #tpu.memory_space<semaphore_mem>>) src(%dma_wait3A_184 : memref<128x64xf32, #tpu.memory_space<vmem>>) dst(%dma_wait3A_180 : memref<128x64xf32, #tpu.memory_space<hbm>>)
    %add3A_185 = arith.constant 25088 : i32
    %add3A_186 = arith.addi %mul3A_2, %add3A_185 : i32
    %multiple_of3A_187 = tpu.assume_multiple %add3A_186, 8 : i32
    %dma_wait3A_188 = arith.constant 4 : i32
    %dma_wait3A_189 = arith.constant 4 : i32
    %dma_wait3A_190 = arith.constant 0 : i32
    %dma_wait3A_191 = arith.constant 0 : i32
    %dma_wait3A_192 = tpu.memref_slice %arg6[%dma_wait3A_188, %dma_wait3A_190, %dma_wait3A_191] : memref<8x128x64xf32, #tpu.memory_space<vmem>> -> memref<1x128x64xf32, #tpu.memory_space<vmem>>
    %dma_wait3A_193 = tpu.memref_squeeze %dma_wait3A_192 : memref<1x128x64xf32, #tpu.memory_space<vmem>> -> memref<128x64xf32, #tpu.memory_space<vmem>>
    %dma_wait3A_194 = arith.constant 0 : i32
    %dma_wait3A_195 = tpu.memref_slice %arg4[%multiple_of3A_187, %dma_wait3A_194] : memref<819200x64xf32, #tpu.memory_space<hbm>> -> memref<128x64xf32, #tpu.memory_space<hbm>>
    %dma_wait3A_196 = tpu.memref_slice %arg8[%dma_wait3A_189] : memref<8x!tpu.dma_semaphore, #tpu.memory_space<semaphore_mem>> -> memref<1x!tpu.dma_semaphore, #tpu.memory_space<semaphore_mem>>
    %dma_wait3A_197 = tpu.memref_squeeze %dma_wait3A_196 : memref<1x!tpu.dma_semaphore, #tpu.memory_space<semaphore_mem>> -> memref<!tpu.dma_semaphore, #tpu.memory_space<semaphore_mem>>
    %dma_wait3A_198 = arith.constant 0 : i32
    %dma_wait3A_199 = tpu.memref_slice %arg4[%multiple_of3A_187, %dma_wait3A_198] : memref<819200x64xf32, #tpu.memory_space<hbm>> -> memref<128x64xf32, #tpu.memory_space<hbm>>
    %dma_wait3A_200 = arith.constant 0 : i32
    %dma_wait3A_201 = arith.constant 0 : i32
    %dma_wait3A_202 = tpu.memref_slice %arg6[%dma_wait3A_188, %dma_wait3A_200, %dma_wait3A_201] : memref<8x128x64xf32, #tpu.memory_space<vmem>> -> memref<1x128x64xf32, #tpu.memory_space<vmem>>
    %dma_wait3A_203 = tpu.memref_squeeze %dma_wait3A_202 : memref<1x128x64xf32, #tpu.memory_space<vmem>> -> memref<128x64xf32, #tpu.memory_space<vmem>>
    tpu.wait_dma2 semaphore(%dma_wait3A_197 : memref<!tpu.dma_semaphore, #tpu.memory_space<semaphore_mem>>) src(%dma_wait3A_203 : memref<128x64xf32, #tpu.memory_space<vmem>>) dst(%dma_wait3A_199 : memref<128x64xf32, #tpu.memory_space<hbm>>)
    %add3A_204 = arith.constant 25216 : i32
    %add3A_205 = arith.addi %mul3A_2, %add3A_204 : i32
    %multiple_of3A_206 = tpu.assume_multiple %add3A_205, 8 : i32
    %dma_wait3A_207 = arith.constant 5 : i32
    %dma_wait3A_208 = arith.constant 5 : i32
    %dma_wait3A_209 = arith.constant 0 : i32
    %dma_wait3A_210 = arith.constant 0 : i32
    %dma_wait3A_211 = tpu.memref_slice %arg6[%dma_wait3A_207, %dma_wait3A_209, %dma_wait3A_210] : memref<8x128x64xf32, #tpu.memory_space<vmem>> -> memref<1x128x64xf32, #tpu.memory_space<vmem>>
    %dma_wait3A_212 = tpu.memref_squeeze %dma_wait3A_211 : memref<1x128x64xf32, #tpu.memory_space<vmem>> -> memref<128x64xf32, #tpu.memory_space<vmem>>
    %dma_wait3A_213 = arith.constant 0 : i32
    %dma_wait3A_214 = tpu.memref_slice %arg4[%multiple_of3A_206, %dma_wait3A_213] : memref<819200x64xf32, #tpu.memory_space<hbm>> -> memref<128x64xf32, #tpu.memory_space<hbm>>
    %dma_wait3A_215 = tpu.memref_slice %arg8[%dma_wait3A_208] : memref<8x!tpu.dma_semaphore, #tpu.memory_space<semaphore_mem>> -> memref<1x!tpu.dma_semaphore, #tpu.memory_space<semaphore_mem>>
    %dma_wait3A_216 = tpu.memref_squeeze %dma_wait3A_215 : memref<1x!tpu.dma_semaphore, #tpu.memory_space<semaphore_mem>> -> memref<!tpu.dma_semaphore, #tpu.memory_space<semaphore_mem>>
    %dma_wait3A_217 = arith.constant 0 : i32
    %dma_wait3A_218 = tpu.memref_slice %arg4[%multiple_of3A_206, %dma_wait3A_217] : memref<819200x64xf32, #tpu.memory_space<hbm>> -> memref<128x64xf32, #tpu.memory_space<hbm>>
    %dma_wait3A_219 = arith.constant 0 : i32
    %dma_wait3A_220 = arith.constant 0 : i32
    %dma_wait3A_221 = tpu.memref_slice %arg6[%dma_wait3A_207, %dma_wait3A_219, %dma_wait3A_220] : memref<8x128x64xf32, #tpu.memory_space<vmem>> -> memref<1x128x64xf32, #tpu.memory_space<vmem>>
    %dma_wait3A_222 = tpu.memref_squeeze %dma_wait3A_221 : memref<1x128x64xf32, #tpu.memory_space<vmem>> -> memref<128x64xf32, #tpu.memory_space<vmem>>
    tpu.wait_dma2 semaphore(%dma_wait3A_216 : memref<!tpu.dma_semaphore, #tpu.memory_space<semaphore_mem>>) src(%dma_wait3A_222 : memref<128x64xf32, #tpu.memory_space<vmem>>) dst(%dma_wait3A_218 : memref<128x64xf32, #tpu.memory_space<hbm>>)
    %add3A_223 = arith.constant 25344 : i32
    %add3A_224 = arith.addi %mul3A_2, %add3A_223 : i32
    %multiple_of3A_225 = tpu.assume_multiple %add3A_224, 8 : i32
    %dma_wait3A_226 = arith.constant 6 : i32
    %dma_wait3A_227 = arith.constant 6 : i32
    %dma_wait3A_228 = arith.constant 0 : i32
    %dma_wait3A_229 = arith.constant 0 : i32
    %dma_wait3A_230 = tpu.memref_slice %arg6[%dma_wait3A_226, %dma_wait3A_228, %dma_wait3A_229] : memref<8x128x64xf32, #tpu.memory_space<vmem>> -> memref<1x128x64xf32, #tpu.memory_space<vmem>>
    %dma_wait3A_231 = tpu.memref_squeeze %dma_wait3A_230 : memref<1x128x64xf32, #tpu.memory_space<vmem>> -> memref<128x64xf32, #tpu.memory_space<vmem>>
    %dma_wait3A_232 = arith.constant 0 : i32
    %dma_wait3A_233 = tpu.memref_slice %arg4[%multiple_of3A_225, %dma_wait3A_232] : memref<819200x64xf32, #tpu.memory_space<hbm>> -> memref<128x64xf32, #tpu.memory_space<hbm>>
    %dma_wait3A_234 = tpu.memref_slice %arg8[%dma_wait3A_227] : memref<8x!tpu.dma_semaphore, #tpu.memory_space<semaphore_mem>> -> memref<1x!tpu.dma_semaphore, #tpu.memory_space<semaphore_mem>>
    %dma_wait3A_235 = tpu.memref_squeeze %dma_wait3A_234 : memref<1x!tpu.dma_semaphore, #tpu.memory_space<semaphore_mem>> -> memref<!tpu.dma_semaphore, #tpu.memory_space<semaphore_mem>>
    %dma_wait3A_236 = arith.constant 0 : i32
    %dma_wait3A_237 = tpu.memref_slice %arg4[%multiple_of3A_225, %dma_wait3A_236] : memref<819200x64xf32, #tpu.memory_space<hbm>> -> memref<128x64xf32, #tpu.memory_space<hbm>>
    %dma_wait3A_238 = arith.constant 0 : i32
    %dma_wait3A_239 = arith.constant 0 : i32
    %dma_wait3A_240 = tpu.memref_slice %arg6[%dma_wait3A_226, %dma_wait3A_238, %dma_wait3A_239] : memref<8x128x64xf32, #tpu.memory_space<vmem>> -> memref<1x128x64xf32, #tpu.memory_space<vmem>>
    %dma_wait3A_241 = tpu.memref_squeeze %dma_wait3A_240 : memref<1x128x64xf32, #tpu.memory_space<vmem>> -> memref<128x64xf32, #tpu.memory_space<vmem>>
    tpu.wait_dma2 semaphore(%dma_wait3A_235 : memref<!tpu.dma_semaphore, #tpu.memory_space<semaphore_mem>>) src(%dma_wait3A_241 : memref<128x64xf32, #tpu.memory_space<vmem>>) dst(%dma_wait3A_237 : memref<128x64xf32, #tpu.memory_space<hbm>>)
    %add3A_242 = arith.constant 25472 : i32
    %add3A_243 = arith.addi %mul3A_2, %add3A_242 : i32
    %multiple_of3A_244 = tpu.assume_multiple %add3A_243, 8 : i32
    %dma_wait3A_245 = arith.constant 7 : i32
    %dma_wait3A_246 = arith.constant 7 : i32
    %dma_wait3A_247 = arith.constant 0 : i32
    %dma_wait3A_248 = arith.constant 0 : i32
    %dma_wait3A_249 = tpu.memref_slice %arg6[%dma_wait3A_245, %dma_wait3A_247, %dma_wait3A_248] : memref<8x128x64xf32, #tpu.memory_space<vmem>> -> memref<1x128x64xf32, #tpu.memory_space<vmem>>
    %dma_wait3A_250 = tpu.memref_squeeze %dma_wait3A_249 : memref<1x128x64xf32, #tpu.memory_space<vmem>> -> memref<128x64xf32, #tpu.memory_space<vmem>>
    %dma_wait3A_251 = arith.constant 0 : i32
    %dma_wait3A_252 = tpu.memref_slice %arg4[%multiple_of3A_244, %dma_wait3A_251] : memref<819200x64xf32, #tpu.memory_space<hbm>> -> memref<128x64xf32, #tpu.memory_space<hbm>>
    %dma_wait3A_253 = tpu.memref_slice %arg8[%dma_wait3A_246] : memref<8x!tpu.dma_semaphore, #tpu.memory_space<semaphore_mem>> -> memref<1x!tpu.dma_semaphore, #tpu.memory_space<semaphore_mem>>
    %dma_wait3A_254 = tpu.memref_squeeze %dma_wait3A_253 : memref<1x!tpu.dma_semaphore, #tpu.memory_space<semaphore_mem>> -> memref<!tpu.dma_semaphore, #tpu.memory_space<semaphore_mem>>
    %dma_wait3A_255 = arith.constant 0 : i32
    %dma_wait3A_256 = tpu.memref_slice %arg4[%multiple_of3A_244, %dma_wait3A_255] : memref<819200x64xf32, #tpu.memory_space<hbm>> -> memref<128x64xf32, #tpu.memory_space<hbm>>
    %dma_wait3A_257 = arith.constant 0 : i32
    %dma_wait3A_258 = arith.constant 0 : i32
    %dma_wait3A_259 = tpu.memref_slice %arg6[%dma_wait3A_245, %dma_wait3A_257, %dma_wait3A_258] : memref<8x128x64xf32, #tpu.memory_space<vmem>> -> memref<1x128x64xf32, #tpu.memory_space<vmem>>
    %dma_wait3A_260 = tpu.memref_squeeze %dma_wait3A_259 : memref<1x128x64xf32, #tpu.memory_space<vmem>> -> memref<128x64xf32, #tpu.memory_space<vmem>>
    tpu.wait_dma2 semaphore(%dma_wait3A_254 : memref<!tpu.dma_semaphore, #tpu.memory_space<semaphore_mem>>) src(%dma_wait3A_260 : memref<128x64xf32, #tpu.memory_space<vmem>>) dst(%dma_wait3A_256 : memref<128x64xf32, #tpu.memory_space<hbm>>)
    return
  }
}

</mosaic_0001>

<sc_bundles>
// kernel: kernel.3.cloned.1.call-start
scs
__scs_entry_jumppad:
0x0: {  	(pc) =	sbr.rel $0x88, $3  }
0x1: {  	(tag) =	ssettag $0x0;
	lr =	simm.s32 $0x1  }
0x2: {  	[smem:$0x3F9F] =	sst lr;
	_ =	strace $0xD0000000  }
0x3: {  	_ = 	snop  }
0x4: {  	_ = 	snop  }
0x5: {  	_ = 	snop  }
0x6: {  	_ = 	snop  }
0x7: {  	_ = 	snop  }
__scs_overlays_trampoline_lowered:
0x8: {  	[smem:$0x3FAE] =	sst s0  }
0x9: {  	[smem:$0x3FAF] =	sst s1  }
0xa: {  	[smem:$0x3FB0] =	sst s2  }
0xb: {  	[smem:$0x3FB1] =	sst s3  }
0xc: {  	[smem:$0x3FB2] =	sst s4  }
0xd: {  	[smem:$0x3FB3] =	sst s5  }
0xe: {  	[smem:$0x3FB4] =	sst s6  }
0xf: {  	[smem:$0x3FB5] =	sst s7  }
0x10: {  	[smem:$0x3FB6] =	sst s8  }
0x11: {  	[smem:$0x3FB7] =	sst s9;
	s0 =	simm.s32 @!p0 $0x0  }
0x12: {  	s1 =	sld [smem:$0x3F9D];
	s0 =	simm.s32 @p0 $0x1  }
0x13: {  	[smem:$0x3FB8] =	sst s0;
	s0 =	simm.s32 @!p1 $0x0  }
0x14: {  	s2 =	sld [smem:$0x3F9C];
	s0 =	simm.s32 @p1 $0x1  }
0x15: {  	[smem:$0x3FB9] =	sst s0;
	s0 =	simm.s32 @!p2 $0x0  }
0x16: {  	s3 =	sld [smem:$0x3FDB];
	s0 =	simm.s32 @p2 $0x1  }
0x17: {  	s4 =	simm.s32 $0x1BF5;
	[smem:$0x3FBB] =	sst s0  }
0x18: {  	s0 =	sld [smem:$0x3F9E];
	_ =	swait.ge [sflag:s4], $0x0  }
0x19: {  	s7 =	sld [smem:$0x3F9F]  }
0x1a: {  	s8 =	sadd.s32 $0xFFFFE003, lr  }
0x1b: {  	s9 =	sadd.s32 $0xFFFFFEF7, lr;
	s5 =	simm.s32 $0xFFFFFFFF;
	p2 =	slt.u32 s8, $0xFFFFF086  }
0x1c: {  	p1 =	slt.u32 s9, $0xF7A;
	s5 =	simm.s32 @!p2 $0x0  }
0x1d: {  	s5 =	simm.s32 @p1 $0x1;
	p0 =	seq.s32 s7, s2  }
0x1e: {  	s7 =	smul.u32 @!p0 $0xF7A, s2;
	p2 =	seq.s32 @!p0 s5, $0x0  }
0x1f: {  	s9 =	smul.u32 $0xF7A, s1;
	s8 =	simm.s32 @!p0 $0x1BF5;
	p2 =	por !p2, p0  }
0x20: {  	[sflag:s8] =	ssyncset.s32 @!p0 $0xFFFFF086;
	s6 =	sadd.s32 @!p0 s3, s7;
	s7 =	simm.s32 @!p0 $0x108  }
0x21: {  	s3 =	sadd.s32 s3, s9;
	s6 =	sadd.s32 @!p0 $0x88, s6;
	s7 =	simm.s32 @p2 $0x1082  }
0x22: {  	[simem:s7], [sflag:s8] =	dma.local @!p0 [hbm:s6], $0xF7A  }
0x23: {  	s9 =	sor.u32 $0xD0000000, s2;
	s6 =	simm.s32 $0x108;
	_ =	swait.ge @!p0 [sflag:s8], $0x0  }
0x24: {  	s3 =	sadd.s32 $0x88, s3;
	s6 =	simm.s32 @!p1 $0x1082;
	[sflag:s4] =	ssyncset.s32 $0xFFFFF086  }
0x25: {  	[simem:s6], [sflag:s4] =	dma.local [hbm:s3], $0xF7A  }
0x26: {  	[smem:$0x3F9F] =	sst s1;
	(tag) =	ssettag s2;
	_ =	strace s9  }
0x27: {  	s1 =	sld [smem:$0x3FAF]  }
0x28: {  	s2 =	sld [smem:$0x3FB0]  }
0x29: {  	s4 =	sld [smem:$0x3FB2]  }
0x2a: {  	p0 =	seq.s32 s5, $0x0;
	s5 =	sld [smem:$0x3FB3]  }
0x2b: {  	s6 =	sld [smem:$0x3FB4]  }
0x2c: {  	s7 =	sld [smem:$0x3FB5]  }
0x2d: {  	s3 =	simm.s32 $0x108;
	s8 =	sld [smem:$0x3FB6]  }
0x2e: {  	s3 =	simm.s32 @!p0 $0x1082;
	s9 =	sld [smem:$0x3FB7]  }
0x2f: {  	lr =	sadd.s32 s0, s3;
	s0 =	sld [smem:$0x3FAE]  }
0x30: {  	s3 =	sld [smem:$0x3FB1]  }
0x31: {  	[smem:$0x3FBA] =	sst s10  }
0x32: {  	s10 =	sld [smem:$0x3FB8];
	_ =	sdelay $0x3  }
0x33: {  	p0 =	seq.s32 s10, $0x1;
	s10 =	sld [smem:$0x3FBA];
	_ =	sdelay $0x3  }
0x34: {  	[smem:$0x3FBA] =	sst s10  }
0x35: {  	s10 =	sld [smem:$0x3FB9];
	_ =	sdelay $0x3  }
0x36: {  	p1 =	seq.s32 s10, $0x1;
	s10 =	sld [smem:$0x3FBA];
	_ =	sdelay $0x3  }
0x37: {  	[smem:$0x3FBA] =	sst s10  }
0x38: {  	s10 =	sld [smem:$0x3FBB]  }
0x39: {  	_ = 	snop;
	(pc) =	sbr.ind lr, $3  }
0x3a: {  	_ = 	snop  }
0x3b: {  	_ = 	snop  }
0x3c: {  	p2 =	seq.s32 s10, $0x1;
	s10 =	sld [smem:$0x3FBA]  }
0x3d: {  	_ =	shalt  }
0x3e: {  	_ =	shalt  }
0x3f: {  	_ =	shalt  }
0x40: {  	_ =	shalt  }
0x41: {  	_ =	shalt  }
0x42: {  	_ =	shalt  }
0x43: {  	_ =	shalt  }
0x44: {  	_ =	shalt  }
0x45: {  	_ =	shalt  }
0x46: {  	_ =	shalt  }
0x47: {  	_ =	shalt  }
0x48: {  	_ =	shalt  }
0x49: {  	_ =	shalt  }
0x4a: {  	_ =	shalt  }
0x4b: {  	_ =	shalt  }
0x4c: {  	_ =	shalt  }
0x4d: {  	_ =	shalt  }
0x4e: {  	_ =	shalt  }
0x4f: {  	_ =	shalt  }
0x50: {  	_ =	shalt  }
0x51: {  	_ =	shalt  }
0x52: {  	_ =	shalt  }
0x53: {  	_ =	shalt  }
0x54: {  	_ =	shalt  }
0x55: {  	_ =	shalt  }
0x56: {  	_ =	shalt  }
0x57: {  	_ =	shalt  }
0x58: {  	_ =	shalt  }
0x59: {  	_ =	shalt  }
0x5a: {  	_ =	shalt  }
0x5b: {  	_ =	shalt  }
0x5c: {  	_ =	shalt  }
0x5d: {  	_ =	shalt  }
0x5e: {  	_ =	shalt  }
0x5f: {  	_ =	shalt  }
0x60: {  	_ =	shalt  }
0x61: {  	_ =	shalt  }
0x62: {  	_ =	shalt  }
0x63: {  	_ =	shalt  }
0x64: {  	_ =	shalt  }
0x65: {  	_ =	shalt  }
0x66: {  	_ =	shalt  }
0x67: {  	_ =	shalt  }
0x68: {  	_ =	shalt  }
0x69: {  	_ =	shalt  }
0x6a: {  	_ =	shalt  }
0x6b: {  	_ =	shalt  }
0x6c: {  	_ =	shalt  }
0x6d: {  	_ =	shalt  }
0x6e: {  	_ =	shalt  }
0x6f: {  	_ =	shalt  }
0x70: {  	_ =	shalt  }
0x71: {  	_ =	shalt  }
0x72: {  	_ =	shalt  }
0x73: {  	_ =	shalt  }
0x74: {  	_ =	shalt  }
0x75: {  	_ =	shalt  }
0x76: {  	_ =	shalt  }
0x77: {  	_ =	shalt  }
0x78: {  	_ =	shalt  }
0x79: {  	_ =	shalt  }
0x7a: {  	_ =	shalt  }
0x7b: {  	_ =	shalt  }
0x7c: {  	_ =	shalt  }
0x7d: {  	_ =	shalt  }
0x7e: {  	_ =	shalt  }
0x7f: {  	_ =	shalt  }
0x80: {  	_ =	shalt  }
0x81: {  	_ =	shalt  }
0x82: {  	_ =	shalt  }
0x83: {  	_ =	shalt  }
0x84: {  	_ =	shalt  }
0x85: {  	_ =	shalt  }
0x86: {  	_ =	shalt  }
0x87: {  	_ =	shalt  }
.Lfunc_end0:
.L_simem_size_0:
called_computation.1_lowered:
.L_overlay_start_0:
0x88: {  	s2 =	sld [smem:$0x3FD9]  }
0x89: {  	s3 =	sld [smem:$0x3FFE];
	_ =	sdelay $0x1  }
0x8a: {  	s1 =	srdreg.scid  }
0x8b: {  	s0 =	sand.u32 $0x1, s1  }
0x8c: {  	s17 =	sshll.u32 s0, $0xA;
	s2 =	sadd.s32 s3, s2  }
0x8d: {  	s2 =	sadd.s32 s2, s17  }
0x8e: {  	[smem:$0x3FC6] =	sst s2  }
0x8f: {  	_ = 	snop  }
0x90: {  	s2 =	sld [smem:$0x3FD0];
	(tm) =	ssettm $0x1  }
0x91: {  	s18 =	sld [smem:$0x3FFB];
	_ =	sdelay $0x3  }
0x92: {  	_ =	strace s18  }
0x93: {  	s3 =	sld [smem:$0x3FFC];
	_ =	sdelay $0x3  }
0x94: {  	_ =	strace s3  }
0x95: {  	s3 =	sld [smem:$0x3FFD];
	_ =	sdelay $0x3  }
0x96: {  	_ =	strace s3  }
0x97: {  	_ =	strace $0x8FFFFFFF  }
0x98: {  	s19 =	sld [smem:$0x3FDB];
	_ =	sdelay $0x1  }
0x99: {  	s4 =	simm.s32 $_scs_section_size  }
0x9a: {  	s5 =	simm.s32 $_size__tile_overlayer_lowered;
	s6 =	simm.s32 $_tile_overlayer_lowered  }
0x9b: {  	s22 =	simm.s32 $0x1BFF;
	s21 =	sshll.u32 s6, $0x1;
	s3 =	sadd.s32 s4, s19  }
0x9c: {  	s7 =	simm.s32 $0x0;
	s20 =	sshll.u32 s5, $0x1;
	s5 =	sadd.s32 s21, s3  }
0x9d: {  	[timem:s7], [sflag:s22] =	dma.local [hbm:s5], s20  }
0x9e: {  	_ =	swait.ge [sflag:s22], s20  }
0x9f: {  	s4 =	ssub.s32 $0x0, s20;
	[sflag:s22] =	ssyncset.done $0x0  }
0xa0: {  	[sflag:s22] =	ssyncadd.s32 s4;
	_ =	sdelay $0x1  }
0xa1: {  	s23 =	simm.s32 $0x1B8B  }
0xa2: {  	_ =	swait.ge [sflag:s23], $0x1  }
0xa3: {  	[sflag:s23] =	ssyncset.done $0x0  }
0xa4: {  	s25 =	simm.s32 $0x1B8E;
	s24 =	sld [smem:$0x3FFE];
	[sflag:s23] =	ssyncadd.s32 $0xFFFFFFFF  }
0xa5: {  	s26 =	simm.s32 $execute0_lowered;
	[smem:$0x3FD2] =	sst s25  }
0xa6: {  	s5 =	sshll.u32 s26, $0x1;
	_ =	strace $0x80000046;
	[dreg:$0x1] =	wrdreg $0xFFFFFFFF  }
0xa7: {  	s28 =	simm.s32 $_size_execute0_lowered;
	s3 =	sadd.s32 s3, s5;
	[dreg:$0x0] =	wrdreg $0x0  }
0xa8: {  	s5 =	sshll.u32 s28, $0x1;
	[dreg:$0x2] =	wrdreg s3  }
0xa9: {  	[dreg:$0x3] =	wrdreg s5  }
0xaa: {  	[dreg:$0x4] =	wrdreg $0xC0  }
0xab: {  	_ =	task [dreg:s7], $0x5FFFF  }
0xac: {  	[dreg:$0x1] =	wrdreg $0xFFFFFFFF  }
0xad: {  	[dreg:$0x0] =	wrdreg $0x60  }
0xae: {  	[dreg:$0x2] =	wrdreg s24  }
0xaf: {  	[dreg:$0x3] =	wrdreg s2  }
0xb0: {  	[dreg:$0x4] =	wrdreg $0x9  }
0xb1: {  	_ =	task.clear_ibuf [dreg:s7], $0x5FFFF;
	_ =	strace $0x90000046  }
0xb2: {  	s29 =	simm.s32 $0x9;
	_ =	strace $0x80000048  }
0xb3: {  	_ =	swait.ge [sflag:s29], $0x1  }
0xb4: {  	[sflag:s29] =	ssyncadd.s32 $0xFFFFFFFF  }
0xb5: {  	_ =	strace $0x90000048  }
0xb6: {  	_ =	sfence  }
0xb7: {  	s30 =	sld [smem:$0x0];
	_ =	sdelay $0x2  }
0xb8: {  	s31 =	sshll.u32 s1, $0xD;
	s1 =	sshrl.u32 s1, $0x2  }
0xb9: {  	s3 =	sand.u32 $0x4000, s31;
	s1 =	sadd.s32 s1, s30  }
0xba: {  	s0 =	sor.u32 s3, s0;
	s1 =	sshll.u32 s1, $0x11  }
0xbb: {  	s0 =	sor.u32 s1, s0  }
0xbc: {  	s0 =	sadd.s32 $0x8F2B, s0  }
0xbd: {  	[sflag:s0] =	ssyncadd.remote.s32 $0x1  }
0xbe: {  	_ =	sfence.sel $0xFFFF  }
0xbf: {  	[dreg:$0x0] =	wrdreg $0xFFFFFFFF;
	(pc) =	sbr.abs _section_cstart, $3  }
0xc0: {  	[dreg:$0x1] =	wrdreg $0xFFFFFFFF  }
0xc1: {  	_ =	task.clear_ibuf [dreg:s7], $0x2FFFF;
	_ =	strace $0x9FFFFFFF  }
0xc2: {  	(tm) =	ssettm $0x7FFFFFFF  }
0xc3: {  	_ =	shalt  }
tec
execute0_lowered:
.L_overlay_start_1:
0x0: {  	(tag) =	ssettag $0x1  }
0x1: {  	s0 =	srdreg.scid;
	s3 =	rddreg [dreg:$0x0]  }
0x2: {  	s6 =	stileid.u32;
	s4 =	rddreg [dreg:$0x1];
	s2 =	simm.s32 $0x0  }
0x3: {  	s15 =	simm.s32 $0x80;
	s19 =	simm.s32 $0xA400;
	s21 =	simm.s32 $0xC400  }
0x4: {  	s23 =	simm.s32 $0xE400;
	s28 =	simm.s32 $0x12400;
	s30 =	simm.s32 $0x14400  }
0x5: {  	s31 =	simm.s32 $0x1;
	s18 =	simm.s32 $0x4;
	s20 =	simm.s32 $0x5  }
0x6: {  	s22 =	simm.s32 $0x6;
	s14 =	simm.s32 $0x10;
	s5 =	smul.u32 $0x320000, s6  }
0x7: {  	s0 =	sand.u32 $0x1, s0;
	s1 =	sshll.u32 s6, $0x1;
	s6 =	smul.u32 $0xC800, s6  }
0x8: {  	[smem:$0x7FF] =	sst s2;
	s1 =	sor.u32 s0, s1;
	s7 =	smul.u32 $0x6400, s0  }
0x9: {  	_ =	strace $0x80000047;
	s8 =	ssub.s32 $0x2, s0;
	s0 =	smul.u32 $0x190000, s0  }
0xa: {  	s1 =	smul.u32 $0x6400, s1;
	s9 =	sshrl.u32 s8, $0x1;
	s6 =	sadd.s32 s7, s6  }
0xb: {  	s24 =	ssub.s32 s8, s9;
	s0 =	sadd.s32 s0, s5;
	s5 =	simm.s32 $0x0  }
0xc: {  	s1 =	sshrl.u32 s1, $0x3;
	s25 =	sshll.u32 s6, $0x3;
	s0 =	sshrl.u32 s0, $0x3  }
0xd: {  	s29 =	smax.u32 s24, $0x1;
	s24 =	simm.s32 $0x7;
	s1 =	sadd.s32 s1, s3  }
0xe: {  	s3 =	sadd.s32 $0xF42E00, s3;
	s26 =	sadd.s32 s25, s4;
	[dreg:$0x4] =	wrdreg s29  }
.Ltmp0:
0xf: {  	s6 =	sadd.s32 s0, s4;
	s25 =	simm.s32 $0x10400;
	(pc) =	sbr.rel .LBB2_1-.Ltmp0, $4  }
0x10: {  	s0 =	simm.s32 $0x3;
	s1 =	sadd.s32 $0xA00, s1;
	s7 =	sadd.s32 $0x1C00, s26  }
0x11: {  	s8 =	sadd.s32 $0x1800, s26;
	s9 =	sadd.s32 $0x1400, s26;
	s10 =	sadd.s32 $0x1000, s26  }
0x12: {  	s11 =	sadd.s32 $0xC00, s26;
	s12 =	sadd.s32 $0x800, s26;
	s13 =	sadd.s32 $0x400, s26  }
0x13: {  	s26 =	simm.s32 $0x8;
	[dreg:$0x3] =	wrdreg s1;
	s1 =	simm.s32 $0x2  }
.LBB2_4:
0x14: {  	s4 =	simm.s32 $0x9  }
0x15: {  	_ =	swait.ge [sflag:s4], $0x2000  }
0x16: {  	[sflag:s4] =	ssyncset.done $0x0  }
0x17: {  	s16 =	simm.s32 $0xA;
	[sflag:s4] =	ssyncadd.s32 $0xFFFFE000  }
0x18: {  	_ =	swait.ge [sflag:s16], $0x2000  }
0x19: {  	[sflag:s16] =	ssyncset.done $0x0  }
0x1a: {  	s17 =	simm.s32 $0xB;
	[sflag:s16] =	ssyncadd.s32 $0xFFFFE000  }
0x1b: {  	_ =	swait.ge [sflag:s17], $0x2000  }
0x1c: {  	[sflag:s17] =	ssyncset.done $0x0  }
0x1d: {  	s29 =	simm.s32 $0xC;
	[sflag:s17] =	ssyncadd.s32 $0xFFFFE000  }
0x1e: {  	_ =	swait.ge [sflag:s29], $0x2000  }
0x1f: {  	[sflag:s29] =	ssyncset.done $0x0  }
0x20: {  	s5 =	simm.s32 $0xD;
	[sflag:s29] =	ssyncadd.s32 $0xFFFFE000  }
0x21: {  	_ =	swait.ge [sflag:s5], $0x2000  }
0x22: {  	[sflag:s5] =	ssyncset.done $0x0  }
0x23: {  	s16 =	simm.s32 $0xE;
	[sflag:s5] =	ssyncadd.s32 $0xFFFFE000  }
0x24: {  	_ =	swait.ge [sflag:s16], $0x2000  }
0x25: {  	[sflag:s16] =	ssyncset.done $0x0  }
0x26: {  	s17 =	simm.s32 $0xF;
	[sflag:s16] =	ssyncadd.s32 $0xFFFFE000  }
0x27: {  	_ =	swait.ge [sflag:s17], $0x2000  }
0x28: {  	[sflag:s17] =	ssyncset.done $0x0  }
0x29: {  	[sflag:s17] =	ssyncadd.s32 $0xFFFFE000  }
0x2a: {  	_ =	swait.ge [sflag:s14], $0x2000  }
0x2b: {  	s5 =	rddreg [dreg:$0x5]  }
0x2c: {  	s29 =	rddreg [dreg:$0x4];
	s5 =	sadd.s32 $0x1, s5  }
0x2d: {  	p0 =	sne.s32 s5, s29  }
.Ltmp1:
0x2e: {  	_ = 	snop;
	(pc) =	sbr.rel @!p0 .LBB2_5-.Ltmp1, $3  }
0x2f: {  	_ =	sdelay $0x1  }
0x30: {  	[sflag:s14] =	ssyncset.done $0x0  }
0x31: {  	[sflag:s14] =	ssyncadd.s32 $0xFFFFE000  }
.LBB2_1:
0x32: {  	[dreg:$0x5] =	wrdreg s5  }
0x33: {  	s4 =	rddreg [dreg:$0x3];
	s29 =	simm.s32 $0x11  }
0x34: {  	[tilespmem:s2], [sflag:$0x11] =	stream.linear.gather [hbm4b:s4+s2], $0x6400, $0x38;
	[tilespmem:$0x16400] =	vst v63  }
0x35: {  	_ =	swait.ge [sflag:s29], $0x6400  }
0x36: {  	[sflag:s29] =	ssyncset.done $0x0  }
0x37: {  	s5 =	simm.s32 $0x6400;
	[sflag:s29] =	ssyncadd.s32 $0xFFFF9C00  }
0x38: {  	[tilespmem:s5], [sflag:$0x1] =	stream.indirect.gather [hbm4b:s3+s15], $0x40, s2, s15, $0xb8;
	[tilespmem:$0x16400] =	vst v63  }
0x39: {  	s16 =	simm.s32 $0x8400  }
0x3a: {  	[tilespmem:s16], [sflag:$0x2] =	stream.indirect.gather [hbm4b:s3+s15], $0x40, s15, s15, $0xb8;
	[tilespmem:$0x16400] =	vst v63  }
0x3b: {  	s17 =	simm.s32 $0x100  }
0x3c: {  	[tilespmem:s19], [sflag:$0x3] =	stream.indirect.gather [hbm4b:s3+s15], $0x40, s17, s15, $0xb8;
	[tilespmem:$0x16400] =	vst v63  }
0x3d: {  	s29 =	simm.s32 $0x180  }
0x3e: {  	[tilespmem:s21], [sflag:$0x4] =	stream.indirect.gather [hbm4b:s3+s15], $0x40, s29, s15, $0xb8;
	[tilespmem:$0x16400] =	vst v63  }
0x3f: {  	s5 =	simm.s32 $0x200  }
0x40: {  	[tilespmem:s23], [sflag:$0x5] =	stream.indirect.gather [hbm4b:s3+s15], $0x40, s5, s15, $0xb8;
	[tilespmem:$0x16400] =	vst v63  }
0x41: {  	s16 =	simm.s32 $0x280  }
0x42: {  	[tilespmem:s25], [sflag:$0x6] =	stream.indirect.gather [hbm4b:s3+s15], $0x40, s16, s15, $0xb8;
	[tilespmem:$0x16400] =	vst v63  }
0x43: {  	s17 =	simm.s32 $0x300  }
0x44: {  	[tilespmem:s28], [sflag:$0x7] =	stream.indirect.gather [hbm4b:s3+s15], $0x40, s17, s15, $0xb8;
	[tilespmem:$0x16400] =	vst v63  }
0x45: {  	s4 =	simm.s32 $0x400;
	s29 =	simm.s32 $0x380;
	s5 =	simm.s32 $0x0  }
0x46: {  	[tilespmem:s30], [sflag:$0x8] =	stream.indirect.gather [hbm4b:s3+s15], $0x40, s29, s15, $0xb8;
	[tilespmem:$0x16400] =	vst v63  }
.LBB2_2:
0x47: {  	_ =	swait.ge [sflag:s31], $0x2000  }
0x48: {  	s29 =	sadd.s32 s5, s6;
	[sflag:s31] =	ssyncset.done $0x0  }
0x49: {  	s16 =	simm.s32 $0x6400;
	p0 =	seq.s32 s5, $0x30000;
	[sflag:s31] =	ssyncadd.s32 $0xFFFFE000  }
0x4a: {  	[hbm4b:s29+s2] =	stream.linear.scatter [tilespmem:s16], [sflag:$0x9], $0x2000, $0x38;
	[tilespmem:$0x16400] =	vst v63  }
0x4b: {  	s29 =	simm.s32 @!p0 $0x9  }
0x4c: {  	_ =	swait.ge @!p0 [sflag:s29], $0x2000  }
0x4d: {  	[sflag:s29] =	ssyncset.done @!p0 $0x0  }
0x4e: {  	s16 =	simm.s32 @!p0 $0x6400;
	[sflag:s29] =	ssyncadd.s32 @!p0 $0xFFFFE000;
	s29 =	simm.s32 @!p0 $0x80  }
0x4f: {  	[tilespmem:s16], [sflag:$0x1] =	stream.indirect.gather @!p0 [hbm4b:s3+s29], $0x40, s4, s29, $0xb8;
	[tilespmem:$0x16400] =	vst v63  }
0x50: {  	_ =	swait.ge [sflag:s1], $0x2000  }
0x51: {  	[sflag:s1] =	ssyncset.done $0x0  }
0x52: {  	s17 =	simm.s32 $0x8400;
	s16 =	sadd.s32 s5, s13;
	[sflag:s1] =	ssyncadd.s32 $0xFFFFE000  }
0x53: {  	[hbm4b:s16+s2] =	stream.linear.scatter [tilespmem:s17], [sflag:$0xA], $0x2000, $0x38;
	[tilespmem:$0x16400] =	vst v63  }
0x54: {  	s16 =	simm.s32 @!p0 $0xA  }
0x55: {  	_ =	swait.ge @!p0 [sflag:s16], $0x2000  }
0x56: {  	[sflag:s16] =	ssyncset.done @!p0 $0x0  }
0x57: {  	s17 =	simm.s32 @!p0 $0x8400;
	[sflag:s16] =	ssyncadd.s32 @!p0 $0xFFFFE000;
	s16 =	sadd.s32 @!p0 $0x80, s4  }
0x58: {  	[tilespmem:s17], [sflag:$0x2] =	stream.indirect.gather @!p0 [hbm4b:s3+s29], $0x40, s16, s29, $0xb8;
	[tilespmem:$0x16400] =	vst v63  }
0x59: {  	_ =	swait.ge [sflag:s0], $0x2000  }
0x5a: {  	[sflag:s0] =	ssyncset.done $0x0  }
0x5b: {  	s17 =	sadd.s32 s5, s12;
	s16 =	simm.s32 @!p0 $0xB;
	[sflag:s0] =	ssyncadd.s32 $0xFFFFE000  }
0x5c: {  	[hbm4b:s17+s2] =	stream.linear.scatter [tilespmem:s19], [sflag:$0xB], $0x2000, $0x38;
	[tilespmem:$0x16400] =	vst v63  }
0x5d: {  	_ =	swait.ge @!p0 [sflag:s16], $0x2000  }
0x5e: {  	[sflag:s16] =	ssyncset.done @!p0 $0x0  }
0x5f: {  	s17 =	simm.s32 @!p0 $0xA400;
	[sflag:s16] =	ssyncadd.s32 @!p0 $0xFFFFE000;
	s16 =	sadd.s32 @!p0 $0x100, s4  }
0x60: {  	[tilespmem:s17], [sflag:$0x3] =	stream.indirect.gather @!p0 [hbm4b:s3+s29], $0x40, s16, s29, $0xb8;
	[tilespmem:$0x16400] =	vst v63  }
0x61: {  	_ =	swait.ge [sflag:s18], $0x2000  }
0x62: {  	[sflag:s18] =	ssyncset.done $0x0  }
0x63: {  	s17 =	sadd.s32 s5, s11;
	s16 =	simm.s32 @!p0 $0xC;
	[sflag:s18] =	ssyncadd.s32 $0xFFFFE000  }
0x64: {  	[hbm4b:s17+s2] =	stream.linear.scatter [tilespmem:s21], [sflag:$0xC], $0x2000, $0x38;
	[tilespmem:$0x16400] =	vst v63  }
0x65: {  	_ =	swait.ge @!p0 [sflag:s16], $0x2000  }
0x66: {  	[sflag:s16] =	ssyncset.done @!p0 $0x0  }
0x67: {  	s17 =	simm.s32 @!p0 $0xC400;
	[sflag:s16] =	ssyncadd.s32 @!p0 $0xFFFFE000;
	s16 =	sadd.s32 @!p0 $0x180, s4  }
0x68: {  	[tilespmem:s17], [sflag:$0x4] =	stream.indirect.gather @!p0 [hbm4b:s3+s29], $0x40, s16, s29, $0xb8;
	[tilespmem:$0x16400] =	vst v63  }
0x69: {  	_ =	swait.ge [sflag:s20], $0x2000  }
0x6a: {  	[sflag:s20] =	ssyncset.done $0x0  }
0x6b: {  	s17 =	sadd.s32 s5, s10;
	s16 =	simm.s32 @!p0 $0xD;
	[sflag:s20] =	ssyncadd.s32 $0xFFFFE000  }
0x6c: {  	[hbm4b:s17+s2] =	stream.linear.scatter [tilespmem:s23], [sflag:$0xD], $0x2000, $0x38;
	[tilespmem:$0x16400] =	vst v63  }
0x6d: {  	_ =	swait.ge @!p0 [sflag:s16], $0x2000  }
0x6e: {  	[sflag:s16] =	ssyncset.done @!p0 $0x0  }
0x6f: {  	s17 =	simm.s32 @!p0 $0xE400;
	[sflag:s16] =	ssyncadd.s32 @!p0 $0xFFFFE000;
	s16 =	sadd.s32 @!p0 $0x200, s4  }
0x70: {  	[tilespmem:s17], [sflag:$0x5] =	stream.indirect.gather @!p0 [hbm4b:s3+s29], $0x40, s16, s29, $0xb8;
	[tilespmem:$0x16400] =	vst v63  }
0x71: {  	_ =	swait.ge [sflag:s22], $0x2000  }
0x72: {  	[sflag:s22] =	ssyncset.done $0x0  }
0x73: {  	s17 =	sadd.s32 s5, s9;
	s16 =	simm.s32 @!p0 $0xE;
	[sflag:s22] =	ssyncadd.s32 $0xFFFFE000  }
0x74: {  	[hbm4b:s17+s2] =	stream.linear.scatter [tilespmem:s25], [sflag:$0xE], $0x2000, $0x38;
	[tilespmem:$0x16400] =	vst v63  }
0x75: {  	_ =	swait.ge @!p0 [sflag:s16], $0x2000  }
0x76: {  	[sflag:s16] =	ssyncset.done @!p0 $0x0  }
0x77: {  	s17 =	simm.s32 @!p0 $0x10400;
	[sflag:s16] =	ssyncadd.s32 @!p0 $0xFFFFE000;
	s16 =	sadd.s32 @!p0 $0x280, s4  }
0x78: {  	[tilespmem:s17], [sflag:$0x6] =	stream.indirect.gather @!p0 [hbm4b:s3+s29], $0x40, s16, s29, $0xb8;
	[tilespmem:$0x16400] =	vst v63  }
0x79: {  	_ =	swait.ge [sflag:s24], $0x2000  }
0x7a: {  	[sflag:s24] =	ssyncset.done $0x0  }
0x7b: {  	s17 =	sadd.s32 s5, s8;
	s16 =	simm.s32 @!p0 $0xF;
	[sflag:s24] =	ssyncadd.s32 $0xFFFFE000  }
0x7c: {  	[hbm4b:s17+s2] =	stream.linear.scatter [tilespmem:s28], [sflag:$0xF], $0x2000, $0x38;
	[tilespmem:$0x16400] =	vst v63  }
0x7d: {  	_ =	swait.ge @!p0 [sflag:s16], $0x2000  }
0x7e: {  	[sflag:s16] =	ssyncset.done @!p0 $0x0  }
0x7f: {  	s17 =	simm.s32 @!p0 $0x12400;
	[sflag:s16] =	ssyncadd.s32 @!p0 $0xFFFFE000;
	s16 =	sadd.s32 @!p0 $0x300, s4  }
0x80: {  	[tilespmem:s17], [sflag:$0x7] =	stream.indirect.gather @!p0 [hbm4b:s3+s29], $0x40, s16, s29, $0xb8;
	[tilespmem:$0x16400] =	vst v63  }
.Ltmp2:
0x81: {  	_ = 	snop;
	(pc) =	sbr.rel @p0 .LBB2_4-.Ltmp2, $4  }
0x82: {  	_ =	swait.ge [sflag:s26], $0x2000  }
0x83: {  	[sflag:s26] =	ssyncset.done $0x0  }
0x84: {  	s29 =	sadd.s32 s5, s7;
	[sflag:s26] =	ssyncadd.s32 $0xFFFFE000  }
0x85: {  	[hbm4b:s29+s2] =	stream.linear.scatter [tilespmem:s30], [sflag:$0x10], $0x2000, $0x38;
	[tilespmem:$0x16400] =	vst v63  }
.Ltmp3:
0x86: {  	(pc) =	sbr.rel .LBB2_2-.Ltmp3, $4  }
0x87: {  	_ =	swait.ge [sflag:s14], $0x2000  }
0x88: {  	s16 =	sadd.s32 $0x380, s4;
	[sflag:s14] =	ssyncset.done $0x0  }
0x89: {  	s5 =	sadd.s32 $0x2000, s5;
	s4 =	sadd.s32 $0x400, s4;
	[sflag:s14] =	ssyncadd.s32 $0xFFFFE000  }
0x8a: {  	[tilespmem:s30], [sflag:$0x8] =	stream.indirect.gather [hbm4b:s3+s15], $0x40, s16, s15, $0xb8;
	[tilespmem:$0x16400] =	vst v63  }
.LBB2_5:
0x8b: {  	_ =	sfence.sel $0x180000  }
0x8c: {  	[bflag:$0x0] =	sbarrier.arrive $0xFFFF  }
0x8d: {  	_ =	strace $0x90000047  }
0x8e: {  	s0 =	stileid.u32;
	[bflag:$0x2] =	sbarrier.arrive $0xFFFF  }
0x8f: {  	p0 =	sne.s32 s0, $0x0;
	s0 =	rddreg [dreg:$0x2]  }
0x90: {  	s0 =	sadd.s32 @!p0 $0x100000, s0  }
0x91: {  	[sflag:s0] =	ssyncadd.tile.s32 @!p0 $0x1;
	_ =	shalt  }
.Lfunc_end2:
_tile_overlayer_lowered:
.L_overlay_start_2:
0x92: {  	(tag) =	ssettag $0x2  }
0x93: {  	s0 =	rddreg [dreg:$0x0];
	s2 =	stileid.u32  }
0x94: {  	s1 =	rddreg [dreg:$0x1];
	p0 =	sne.s32 s2, $0x0  }
0x95: {  	s3 =	rddreg [dreg:$0x2];
	[bflag:$0x3] =	sbarrier.arrive $0xFFFF;
	s2 =	simm.s32 @!p0 $0x1C11  }
0x96: {  	[timem:s3], [sflag:s2] =	dma.local @!p0 [hbm:s0], s1  }
0x97: {  	s0 =	simm.s32 @!p0 $0x11  }
0x98: {  	_ =	swait.ge @!p0 [sflag:s0], s1  }
0x99: {  	s1 =	ssub.s32 @!p0 $0x0, s1;
	[sflag:s0] =	ssyncset.done @!p0 $0x0  }
0x9a: {  	[sflag:s0] =	ssyncadd.s32 @!p0 s1  }
0x9b: {  	[bflag:$0x3] =	sbarrier.arrive $0xFFFF  }
0x9c: {  	_ =	shalt  }

// kernel: sparse-core-data-format-call.cloned.1.call-start
scs
called_computation_lowered:
.L_overlay_start_0:
0x0: {  	s2 =	sld [smem:$0x3FD9]  }
0x1: {  	s3 =	sld [smem:$0x3FFE];
	_ =	sdelay $0x1  }
0x2: {  	s1 =	srdreg.scid  }
0x3: {  	s0 =	sand.u32 $0x1, s1  }
0x4: {  	s18 =	sshll.u32 s0, $0xA;
	s2 =	sadd.s32 s3, s2  }
0x5: {  	s2 =	sadd.s32 s2, s18  }
0x6: {  	[smem:$0x3FC6] =	sst s2  }
0x7: {  	_ = 	snop  }
0x8: {  	s2 =	sld [smem:$0x3FD0];
	(tm) =	ssettm $0x1  }
0x9: {  	s19 =	sld [smem:$0x3FFB];
	_ =	sdelay $0x3  }
0xa: {  	_ =	strace s19  }
0xb: {  	s3 =	sld [smem:$0x3FFC];
	_ =	sdelay $0x3  }
0xc: {  	_ =	strace s3  }
0xd: {  	s3 =	sld [smem:$0x3FFD];
	_ =	sdelay $0x3  }
0xe: {  	_ =	strace s3  }
0xf: {  	_ =	strace $0x8FFFFFFF  }
0x10: {  	s20 =	sld [smem:$0x3FDB];
	_ =	sdelay $0x1  }
0x11: {  	s4 =	simm.s32 $_scs_section_size  }
0x12: {  	s5 =	simm.s32 $_size__tile_overlayer_lowered;
	s6 =	simm.s32 $_tile_overlayer_lowered  }
0x13: {  	s23 =	simm.s32 $0x1BFF;
	s22 =	sshll.u32 s6, $0x1;
	s3 =	sadd.s32 s4, s20  }
0x14: {  	s7 =	simm.s32 $0x0;
	s21 =	sshll.u32 s5, $0x1;
	s5 =	sadd.s32 s22, s3  }
0x15: {  	[timem:s7], [sflag:s23] =	dma.local [hbm:s5], s21  }
0x16: {  	_ =	swait.ge [sflag:s23], s21  }
0x17: {  	s4 =	ssub.s32 $0x0, s21;
	[sflag:s23] =	ssyncset.done $0x0  }
0x18: {  	[sflag:s23] =	ssyncadd.s32 s4;
	_ =	sdelay $0x1  }
0x19: {  	s24 =	simm.s32 $0x1B8B  }
0x1a: {  	_ =	swait.ge [sflag:s24], $0x1  }
0x1b: {  	[sflag:s24] =	ssyncset.done $0x0  }
0x1c: {  	s26 =	simm.s32 $0x1B8E;
	s25 =	sld [smem:$0x3FFE];
	[sflag:s24] =	ssyncadd.s32 $0xFFFFFFFF  }
0x1d: {  	s27 =	simm.s32 $execute0_lowered;
	[smem:$0x3FD2] =	sst s26  }
0x1e: {  	s5 =	sshll.u32 s27, $0x1;
	_ =	strace $0x80000049;
	[dreg:$0x1] =	wrdreg $0xFFFFFFFF  }
0x1f: {  	s28 =	simm.s32 $_size_execute0_lowered;
	s3 =	sadd.s32 s3, s5;
	[dreg:$0x0] =	wrdreg $0x0  }
0x20: {  	s5 =	sshll.u32 s28, $0x1;
	[dreg:$0x2] =	wrdreg s3  }
0x21: {  	[dreg:$0x3] =	wrdreg s5  }
0x22: {  	[dreg:$0x4] =	wrdreg $0xC0  }
0x23: {  	_ =	task [dreg:s7], $0x5FFFF  }
0x24: {  	[dreg:$0x1] =	wrdreg $0xFFFFFFFF  }
0x25: {  	[dreg:$0x0] =	wrdreg $0x60  }
0x26: {  	[dreg:$0x2] =	wrdreg s25  }
0x27: {  	[dreg:$0x3] =	wrdreg s2  }
0x28: {  	[dreg:$0x4] =	wrdreg $0x9  }
0x29: {  	_ =	task.clear_ibuf [dreg:s7], $0x5FFFF;
	_ =	strace $0x90000049  }
0x2a: {  	s29 =	simm.s32 $0x9;
	_ =	strace $0x8000004B  }
0x2b: {  	_ =	swait.ge [sflag:s29], $0x1  }
0x2c: {  	[sflag:s29] =	ssyncadd.s32 $0xFFFFFFFF  }
0x2d: {  	_ =	strace $0x9000004B  }
0x2e: {  	_ =	sfence  }
0x2f: {  	s30 =	sld [smem:$0x0];
	_ =	sdelay $0x2  }
0x30: {  	s31 =	sshll.u32 s1, $0xD;
	s1 =	sshrl.u32 s1, $0x2  }
0x31: {  	s3 =	sand.u32 $0x4000, s31;
	s1 =	sadd.s32 s1, s30  }
0x32: {  	s0 =	sor.u32 s3, s0;
	s1 =	sshll.u32 s1, $0x11  }
0x33: {  	s0 =	sor.u32 s1, s0  }
0x34: {  	s0 =	sadd.s32 $0x8F2B, s0  }
0x35: {  	[sflag:s0] =	ssyncadd.remote.s32 $0x1  }
0x36: {  	_ =	sfence.sel $0xFFFF  }
0x37: {  	[dreg:$0x0] =	wrdreg $0xFFFFFFFF;
	(pc) =	sbr.abs _section_cstart, $3  }
0x38: {  	[dreg:$0x1] =	wrdreg $0xFFFFFFFF  }
0x39: {  	_ =	task.clear_ibuf [dreg:s7], $0x2FFFF;
	_ =	strace $0x9FFFFFFF  }
0x3a: {  	(tm) =	ssettm $0x7FFFFFFF  }
0x3b: {  	_ =	shalt  }
tec
execute0_lowered:
.L_overlay_start_1:
0x0: {  	(tag) =	ssettag $0x1  }
0x1: {  	s0 =	srdreg.scid  }
0x2: {  	s1 =	sshll.u32 s0, $0x4  }
0x3: {  	s0 =	stileid.u32;
	s1 =	sand.u32 $0x10, s1  }
0x4: {  	s1 =	sor.u32 s0, s1  }
0x5: {  	s6 =	rddreg [dreg:$0x0];
	s4 =	simm.s32 $0x1;
	s2 =	sshll.u32 s1, $0x7  }
0x6: {  	s7 =	simm.s32 $0x2;
	s12 =	simm.s32 $0x0;
	s1 =	ssub.s32 $0x4000, s2  }
0x7: {  	s8 =	simm.s32 $0x20000;
	s13 =	simm.s32 $0x0;
	s3 =	sand.u32 $0xF80, s1  }
0x8: {  	s9 =	simm.s32 $0x0;
	s5 =	sshrl.u32 s1, $0xC;
	p0 =	sne.s32 s3, $0x0  }
.Ltmp0:
0x9: {  	s1 =	rddreg [dreg:$0x2];
	s4 =	simm.s32 @!p0 $0x0;
	(pc) =	sbr.rel .LBB1_1-.Ltmp0, $4  }
0xa: {  	s11 =	simm.s32 $0x0;
	s3 =	rddreg [dreg:$0x1];
	s5 =	sadd.s32 s4, s5  }
0xb: {  	_ =	strace $0x8000004A;
	s4 =	simm.s32 $0x1;
	s5 =	smul.u32 $0x32, s5  }
0xc: {  	s6 =	sadd.s32 $0xA00, s6;
	s10 =	smov.u32 s2;
	[sflag:s4] =	ssyncpa.u1 $0x0  }
0xd: {  	p0 =	por $0x0, $0x0;
	[sflag:s7] =	ssyncpa.u1 $0x0;
	s7 =	sor.u32 $0x1, s5  }
.LBB1_4:
0xe: {  	s16 =	sshll.u32 s13, $0x3;
	s17 =	sand.u32 $0x78, s13  }
0xf: {  	s30 =	sand.u32 $0x1F800, s13;
	s12 =	sshll.u32 s12, $0x11;
	s16 =	sand.u32 $0x3C00, s16  }
0x10: {  	[tilespmem:s15+$0x810 ss:$0x81] =	vst.msk $0xffff, v2;
	s31 =	sand.u32 $0x7, s13;
	s16 =	sor.u32 s17, s16;
	s17 =	sadd.s32 s3, s30  }
0x11: {  	[tilespmem:s15+$0x1020 ss:$0x81] =	vst.msk $0xffff, v0;
	s13 =	sshll.u32 s31, $0x12;
	s12 =	sadd.s32 s12, s17;
	s16 =	sshrl.u32 s16, $0x3  }
0x12: {  	[tilespmem:s15+$0x0 ss:$0x81] =	vst.msk $0xffff, v1;
	s13 =	sor.u32 $0x400, s13;
	s12 =	sadd.s32 s16, s12  }
0x13: {  	[hbm4b:s12+s13] =	stream.strided.scatter [tilespmem:s14], [sflag:$0x2], $0x2000, s8, s13, $0x20;
	[tilespmem:$0x8080] =	vst v63  }
.LBB1_5:
0x14: {  	s14 =	sadd.s32 $0x1, s9  }
0x15: {  	s12 =	sadd.s32 $0x1000, s10;
	s16 =	smov.u32 s10;
	p2 =	sgt.s32 s14, $0x31  }
0x16: {  	s16 =	smov.u32 @p2 s12  }
0x17: {  	s14 =	simm.s32 @p2 $0x0;
	p2 =	sgt.s32 s16, $0x3FFF  }
0x18: {  	s16 =	smov.u32 @p2 s2;
	p2 =	sne.s32 s11, s7  }
.Ltmp1:
0x19: {  	p1 =	slt.u32 s11, $0x2;
	(pc) =	sbr.rel @!p2 .LBB1_6-.Ltmp1, $4  }
0x1a: {  	s15 =	simm.s32 @!p1 $0x2  }
0x1b: {  	s13 =	smov.u32 s10;
	p0 =	por !p0, !p0;
	_ =	swait.ge @!p1 [sflag:s15], $0x2000  }
0x1c: {  	s12 =	smov.u32 s9;
	[sflag:s15] =	ssyncset.done @!p1 $0x0;
	s9 =	smov.u32 s14  }
0x1d: {  	s11 =	sadd.s32 $0x1, s11;
	[sflag:s15] =	ssyncadd.s32 @!p1 $0xFFFFE000;
	s10 =	smov.u32 s16  }
.LBB1_1:
0x1e: {  	p1 =	sge.u32 s11, s5  }
0x1f: {  	s14 =	sand.u32 @!p1 $0x1FFFFFF, s9  }
0x20: {  	s15 =	smulhi.u32 @!p1 $0x4924925, s14;
	_ =	sdelay $0x1  }
0x21: {  	s15 =	smul.u32 @!p1 $0x38, s15  }
0x22: {  	s16 =	sxor.u32 @!p1 $0xFFFFFFFF, s11;
	s17 =	smul.u32 @!p1 $0x380, s10  }
0x23: {  	s31 =	sadd.s32 $0xFFFFFFFF, s11;
	s16 =	sshll.u32 @!p1 s16, $0xD;
	s14 =	ssub.s32 @!p1 s14, s15  }
0x24: {  	s15 =	sand.u32 @!p1 $0x2000, s16;
	s16 =	sadd.s32 @!p1 s6, s17;
	s14 =	sshll.u32 @!p1 s14, $0x4  }
0x25: {  	s17 =	simm.s32 @!p1 $0x1C00;
	s14 =	sadd.s32 @!p1 s14, s16;
	s16 =	simm.s32 @!p1 $0x40  }
0x26: {  	[tilespmem:s15], [sflag:$0x1] =	stream.strided.gather @!p1 [hbm4b:s14+s16], $0x2000, s17, s16, $0x38;
	[tilespmem:$0x8080] =	vst v63  }
0x27: {  	p1 =	sge.u32 s31, s5  }
.Ltmp2:
0x28: {  	_ = 	snop;
	(pc) =	sbr.rel @p1 .LBB1_5-.Ltmp2, $1  }
0x29: {  	_ =	sdelay $0x3  }
0x2a: {  	s14 =	simm.s32 $0x1  }
0x2b: {  	_ =	swait.ge [sflag:s4], $0x2000;
	s14 =	simm.s32 @!p0 $0x0  }
0x2c: {  	[sflag:s4] =	ssyncset.done $0x0;
	s15 =	sshll.u32 s14, $0xD  }
0x2d: {  	[sflag:s4] =	ssyncadd.s32 $0xFFFFE000;
	s18 =	sor.u32 $0x20, s15  }
0x2e: {  	s14 =	smul.u32 $0x8100, s14;
	v3 =	vld [tilespmem:s18+$0x10]  }
0x2f: {  	s30 =	sand.u32 $0x1, s11;
	v2 =	vld [tilespmem:s18+$0xFFFFFFF0]  }
0x30: {  	s15 =	smul.u32 $0x8100, s30;
	s14 =	sshrl.u32 s14, $0x2;
	v0 =	vld [tilespmem:s18+$0x0]  }
0x31: {  	v1 =	vld [tilespmem:s18+$0xFFFFFFE0];
	s16 =	sor.u32 $0x4000, s14  }
0x32: {  	s31 =	sshrl.u32 s15, $0x2;
	s15 =	sadd.s32 $0x0, s16  }
0x33: {  	s17 =	simm.s32 $0x4;
	s18 =	sadd.s32 $0x40, s18;
	s14 =	sor.u32 $0x4000, s31;
	[tilespmem:s15+$0x1830 ss:$0x81] =	vst.msk $0xffff, v3  }
.LBB1_3:
0x34: {  	v3 =	vld [tilespmem:s18+$0x10];
	p1 =	sne.s32 s17, $0x1FC;
	[tilespmem:s15+$0x810 ss:$0x81] =	vst.msk $0xffff, v2;
	s19 =	smov.u32 s17;
	s17 =	sadd.s32 $0x4, s17  }
.Ltmp3:
0x35: {  	v2 =	vld [tilespmem:s18+$0xFFFFFFF0];
	[tilespmem:s15+$0x1020 ss:$0x81] =	vst.msk $0xffff, v0;
	(pc) =	sbr.rel @p1 .LBB1_3-.Ltmp3, $4  }
0x36: {  	v0 =	vld [tilespmem:s18+$0x0];
	[tilespmem:s15+$0x0 ss:$0x81] =	vst.msk $0xffff, v1  }
0x37: {  	s15 =	sshra.s32 s19, $0x2;
	v1 =	vld [tilespmem:s18+$0xFFFFFFE0]  }
0x38: {  	s15 =	sadd.s32 s15, s16  }
0x39: {  	s18 =	sadd.s32 $0x40, s18;
	[tilespmem:s15+$0x1830 ss:$0x81] =	vst.msk $0xffff, v3  }
.Ltmp4:
0x3a: {  	_ = 	snop;
	(pc) =	sbr.rel .LBB1_4-.Ltmp4, $1  }
0x3b: {  	_ =	sdelay $0x3  }
.LBB1_6:
0x3c: {  	_ =	sfence.sel $0x180000  }
0x3d: {  	s2 =	simm.s32 $0x1;
	[bflag:$0x0] =	sbarrier.arrive $0xFFFF  }
0x3e: {  	s31 =	simm.s32 $0x2;
	[sflag:s2] =	ssyncpa.u1 $0x1  }
0x3f: {  	[sflag:s31] =	ssyncpa.u1 $0x1  }
0x40: {  	p0 =	sne.s32 s0, $0x0;
	_ =	strace $0x9000004A  }
0x41: {  	s0 =	sadd.s32 @!p0 $0x100000, s1;
	[bflag:$0x2] =	sbarrier.arrive $0xFFFF  }
0x42: {  	[sflag:s0] =	ssyncadd.tile.s32 @!p0 $0x1;
	_ =	shalt  }
.Lfunc_end1:
_tile_overlayer_lowered:
.L_overlay_start_2:
0x43: {  	(tag) =	ssettag $0x2  }
0x44: {  	s0 =	rddreg [dreg:$0x0];
	s2 =	stileid.u32  }
0x45: {  	s1 =	rddreg [dreg:$0x1];
	p0 =	sne.s32 s2, $0x0  }
0x46: {  	s3 =	rddreg [dreg:$0x2];
	[bflag:$0x3] =	sbarrier.arrive $0xFFFF;
	s2 =	simm.s32 @!p0 $0x1C01  }
0x47: {  	[timem:s3], [sflag:s2] =	dma.local @!p0 [hbm:s0], s1  }
0x48: {  	s0 =	simm.s32 @!p0 $0x1  }
0x49: {  	_ =	swait.ge @!p0 [sflag:s0], s1  }
0x4a: {  	s1 =	ssub.s32 @!p0 $0x0, s1;
	[sflag:s0] =	ssyncset.done @!p0 $0x0  }
0x4b: {  	[sflag:s0] =	ssyncadd.s32 @!p0 s1  }
0x4c: {  	[bflag:$0x3] =	sbarrier.arrive $0xFFFF  }
0x4d: {  	_ =	shalt  }

</sc_bundles>
